<compile_context>
chip_gen: v7x
topology: tpu7x:2x2x1
jax: 0.10.2.dev20260603
libtpu: 0.0.44.dev20260713+nightly
codegen_flags: <defaults>
</compile_context>

<pallas_src>
import functools

import jax
import jax.numpy as jnp
from jax import lax
from jax.experimental import pallas as pl
from jax.experimental.pallas import tpu as pltpu
from jax.experimental.pallas import tpu_sc as plsc

N = 10000
E = 320000
D = 128

NC = 2
NS = 16
NW = NC * NS
EPW = E // NW
CH = 125
NCHUNK = EPW // CH
HCHUNK = NCHUNK // 2
NPAD = 10240
ROWS_PER_TILE = NPAD // NS


def _agg_body(hs_hbm, src3_hbm, dst3_hbm, zeros_hbm, out_hbm,
              sidx, didx, data0, data1, sem0, sem1, acc_sh):
    cid = lax.axis_index("c")
    sid = lax.axis_index("s")
    wid = sid * NC + cid
    r0 = sid * ROWS_PER_TILE
    pltpu.sync_copy(zeros_hbm, acc_sh.at[pl.ds(r0, ROWS_PER_TILE), :])
    plsc.subcore_barrier()

    for h in range(2):
        pltpu.sync_copy(src3_hbm.at[wid, pl.ds(h * HCHUNK, HCHUNK)], sidx)
        pltpu.sync_copy(dst3_hbm.at[wid, pl.ds(h * HCHUNK, HCHUNK)], didx)
        pltpu.async_copy(hs_hbm.at[sidx.at[0]], data0, sem0)

        def body(i, carry):
            q0 = 2 * i
            pltpu.async_copy(hs_hbm.at[sidx.at[q0 + 1]], data1, sem1)
            pltpu.make_async_copy(hs_hbm.at[sidx.at[q0]], data0, sem0).wait()
            pltpu.sync_copy(data0, acc_sh.at[didx.at[q0]], add=True)

            @pl.when(q0 + 2 < HCHUNK)
            def _():
                pltpu.async_copy(hs_hbm.at[sidx.at[q0 + 2]], data0, sem0)

            pltpu.make_async_copy(hs_hbm.at[sidx.at[q0 + 1]], data1, sem1).wait()
            pltpu.sync_copy(data1, acc_sh.at[didx.at[q0 + 1]], add=True)
            return carry

        lax.fori_loop(0, HCHUNK // 2, body, 0)
    plsc.subcore_barrier()
    pltpu.sync_copy(acc_sh.at[pl.ds(r0, ROWS_PER_TILE), :],
                    out_hbm.at[cid, pl.ds(r0, ROWS_PER_TILE), :])


def _deg_body(dst3_hbm, ones_hbm, zeros_hbm, out_hbm, didx, ones_v, acc_sh):
    cid = lax.axis_index("c")
    sid = lax.axis_index("s")
    wid = sid * NC + cid
    pltpu.sync_copy(dst3_hbm.at[wid], didx)
    pltpu.sync_copy(ones_hbm, ones_v)
    r0 = sid * ROWS_PER_TILE
    pltpu.sync_copy(zeros_hbm, acc_sh.at[pl.ds(r0, ROWS_PER_TILE), :])
    plsc.subcore_barrier()

    def body(q, carry):
        pltpu.sync_copy(ones_v, acc_sh.at[didx.at[q]], add=True)
        return carry

    lax.fori_loop(0, NCHUNK, body, 0)
    plsc.subcore_barrier()
    pltpu.sync_copy(acc_sh.at[pl.ds(r0, ROWS_PER_TILE), :],
                    out_hbm.at[cid, pl.ds(r0, ROWS_PER_TILE), :])


@functools.cache
def _sc_kernels():
    mesh = plsc.VectorSubcoreMesh(core_axis_name="c", subcore_axis_name="s",
                                  num_cores=NC, num_subcores=NS)
    agg_kernel = pl.kernel(
        _agg_body,
        out_type=jax.ShapeDtypeStruct((NC, NPAD, D), jnp.float32),
        mesh=mesh,
        scratch_types=[
            pltpu.VMEM((HCHUNK, CH), jnp.int32),
            pltpu.VMEM((HCHUNK, CH), jnp.int32),
            pltpu.VMEM((CH, D), jnp.float32),
            pltpu.VMEM((CH, D), jnp.float32),
            pltpu.SemaphoreType.DMA,
            pltpu.SemaphoreType.DMA,
            pltpu.VMEM_SHARED((NPAD, D), jnp.float32),
        ],
    )
    deg_kernel = pl.kernel(
        _deg_body,
        out_type=jax.ShapeDtypeStruct((NC, NPAD, D), jnp.float32),
        mesh=mesh,
        scratch_types=[
            pltpu.VMEM((NCHUNK, CH), jnp.int32),
            pltpu.VMEM((CH, D), jnp.float32),
            pltpu.VMEM_SHARED((NPAD, D), jnp.float32),
        ],
    )
    return agg_kernel, deg_kernel



BM = 2000
NBLK = N // BM


def _deg_block(deg_ref):
    return jnp.maximum(deg_ref[0, :, 0:1] + deg_ref[1, :, 0:1], 1.0)


def _k1_body(feat_ref, w0_ref, deg_ref, hs0_ref, dinv_ref):
    dinv = lax.rsqrt(_deg_block(deg_ref))
    h0 = jnp.dot(feat_ref[...], w0_ref[...], preferred_element_type=jnp.float32)
    hs0_ref[...] = h0 * dinv
    dinv_ref[...] = jnp.broadcast_to(dinv, dinv_ref.shape)


def _k2_body(hs0_ref, p_ref, dinv_ref, w_ref, hs1_ref):
    dinv = dinv_ref[...]
    h0 = hs0_ref[...] * (1.0 / dinv)
    c = h0 + dinv * (p_ref[0] + p_ref[1])
    h1 = jnp.dot(c, w_ref[...], preferred_element_type=jnp.float32)
    hs1_ref[...] = h1 * dinv


def _k3_body(hs1_ref, p_ref, dinv_ref, w_ref, b_ref,
             m_ref, colsum_ref, sqsum_ref):
    dinv = dinv_ref[...]
    h1 = hs1_ref[...] * (1.0 / dinv)
    c = h1 + dinv * (p_ref[0] + p_ref[1])
    m = jnp.dot(c, w_ref[...], preferred_element_type=jnp.float32) + b_ref[...]
    m_ref[...] = m

    @pl.when(pl.program_id(0) == 0)
    def _():
        colsum_ref[...] = jnp.zeros_like(colsum_ref)
        sqsum_ref[...] = jnp.zeros_like(sqsum_ref)

    colsum_ref[...] += jnp.sum(m, axis=0, keepdims=True)
    sqsum_ref[...] += jnp.sum(m * m, axis=0, keepdims=True)


def _kf_body(m_ref, colsum_ref, sqsum_ref, gamma_ref, beta_ref,
             w_ref, b_ref, out_ref):
    mu = colsum_ref[...] * (1.0 / N)
    var = sqsum_ref[...] * (1.0 / N) - mu * mu
    xh = (m_ref[...] - mu) * lax.rsqrt(var + 1e-5) * gamma_ref[...] + beta_ref[...]
    r = jnp.maximum(xh, 0.0)
    out_ref[...] = (jnp.dot(r, w_ref[...], preferred_element_type=jnp.float32)
                    + b_ref[...])


def _row_spec(width):
    return pl.BlockSpec((BM, width), lambda i: (i, 0))


def _full_spec(shape):
    return pl.BlockSpec(shape, lambda i: tuple(0 for _ in shape))


def _part_spec(width):
    return pl.BlockSpec((NC, BM, width), lambda i: (0, i, 0))



def kernel(feat, edge_index, W0, W1, Wp1, bp1, gamma, beta, Wp2, bp2):
    src3 = edge_index[0].reshape(NW, NCHUNK, CH)
    dst3 = edge_index[1].reshape(NW, NCHUNK, CH)
    zeros_blk = jnp.zeros((ROWS_PER_TILE, D), jnp.float32)
    ones_blk = jnp.ones((CH, D), jnp.float32)

    agg_kernel, deg_kernel = _sc_kernels()

    deg16 = deg_kernel(dst3, ones_blk, zeros_blk)

    hs0, dinv16 = pl.pallas_call(
        _k1_body,
        grid=(NBLK,),
        in_specs=[_row_spec(D), _full_spec((D, D)), _part_spec(D)],
        out_specs=[_row_spec(D), _row_spec(D)],
        out_shape=[jax.ShapeDtypeStruct((N, D), jnp.float32)] * 2,
    )(feat, W0, deg16)

    p1 = agg_kernel(hs0, src3, dst3, zeros_blk)

    hs1 = pl.pallas_call(
        _k2_body,
        grid=(NBLK,),
        in_specs=[_row_spec(D), _part_spec(D), _row_spec(D),
                  _full_spec((D, D))],
        out_specs=_row_spec(D),
        out_shape=jax.ShapeDtypeStruct((N, D), jnp.float32),
    )(hs0, p1, dinv16, W1)

    p2 = agg_kernel(hs1, src3, dst3, zeros_blk)

    MH = Wp1.shape[1]
    m, colsum, sqsum = pl.pallas_call(
        _k3_body,
        grid=(NBLK,),
        in_specs=[_row_spec(D), _part_spec(D), _row_spec(D),
                  _full_spec((D, MH)), _full_spec((1, MH))],
        out_specs=[_row_spec(MH), _full_spec((1, MH)), _full_spec((1, MH))],
        out_shape=[jax.ShapeDtypeStruct((N, MH), jnp.float32),
                   jax.ShapeDtypeStruct((1, MH), jnp.float32),
                   jax.ShapeDtypeStruct((1, MH), jnp.float32)],
    )(hs1, p2, dinv16, Wp1, bp1.reshape(1, MH))

    MO = Wp2.shape[1]
    out = pl.pallas_call(
        _kf_body,
        grid=(NBLK,),
        in_specs=[_row_spec(MH), _full_spec((1, MH)), _full_spec((1, MH)),
                  _full_spec((1, MH)), _full_spec((1, MH)),
                  _full_spec((MH, MO)), _full_spec((1, MO))],
        out_specs=_row_spec(MO),
        out_shape=jax.ShapeDtypeStruct((N, MO), jnp.float32),
    )(m, colsum, sqsum, gamma.reshape(1, MH), beta.reshape(1, MH),
      Wp2, bp2.reshape(1, MO))

    return out

# --- scband reference (transcript-rebuilt; emitter-appended) ---
"""Pipeline reference for scband-low-gcn-88510686036815 (READ-ONLY COPY).

The authoritative reference and input builder live on the scoring server;
editing this copy changes nothing except your own understanding.
"""

import jax, jax.numpy as jnp
import numpy as np

N = 10000
E = 320000
D_IN = 128
H0 = 128
H1 = 128
MLP_H = 256
MLP_OUT = 128


def setup_inputs(seed: int = 0) -> dict:
    key = jax.random.key(seed)
    ks = jax.random.split(key, 10)
    feat = jax.random.normal(ks[0], (N, D_IN), dtype=jnp.float32)
    edge_index = jax.random.randint(ks[1], (2, E), 0, N, dtype=jnp.int32)
    # learned parameters
    W0 = jax.random.normal(ks[2], (D_IN, H0), dtype=jnp.float32) * (1.0 / np.sqrt(D_IN))
    W1 = jax.random.normal(ks[3], (H0, H1), dtype=jnp.float32) * (1.0 / np.sqrt(H0))
    Wp1 = jax.random.normal(ks[4], (H1, MLP_H), dtype=jnp.float32) * (1.0 / np.sqrt(H1))
    bp1 = jnp.zeros((MLP_H,), dtype=jnp.float32)
    gamma = jnp.ones((MLP_H,), dtype=jnp.float32)
    beta = jnp.zeros((MLP_H,), dtype=jnp.float32)
    Wp2 = jax.random.normal(ks[5], (MLP_H, MLP_OUT), dtype=jnp.float32) * (1.0 / np.sqrt(MLP_H))
    bp2 = jnp.zeros((MLP_OUT,), dtype=jnp.float32)
    return {"feat": feat, "edge_index": edge_index, "W0": W0, "W1": W1,
            "Wp1": Wp1, "bp1": bp1, "gamma": gamma, "beta": beta,
            "Wp2": Wp2, "bp2": bp2}


def reference(feat, edge_index, W0, W1, Wp1, bp1, gamma, beta, Wp2, bp2):
    src = edge_index[0]
    dst = edge_index[1]
    n = feat.shape[0]
    # in-degrees (messages are summed at dst)
    deg = jnp.zeros((n,), dtype=feat.dtype).at[dst].add(1.0)
    d_invsqrt = jnp.power(jnp.maximum(deg, 1.0), -0.5)[:, None]

    def low_conv(h):
        # A_tile: 2I - L^sym  =>  h + D^{-1/2} A D^{-1/2} h
        hd = h * d_invsqrt
        agg = jnp.zeros_like(h).at[dst].add(hd[src])
        l_sym = h - agg * d_invsqrt
        return 2.0 * h - l_sym

    h = feat @ W0
    h = low_conv(h)  # act=None
    h = h @ W1
    h = low_conv(h)  # last conv: act=None
    # MLPHead projection: Linear -> BatchNorm1d (training stats) -> ReLU -> Linear
    h = h @ Wp1 + bp1
    mu = jnp.mean(h, axis=0)
    var = jnp.mean((h - mu) ** 2, axis=0)
    h = (h - mu) / jnp.sqrt(var + 1e-5) * gamma + beta
    h = jax.nn.relu(h)
    h = h @ Wp2 + bp2
    return h

if __name__ == "__main__":
    import jax
    _d = setup_inputs()
    print(jax.jit(kernel)(*tuple(_d.values())))

</pallas_src>

<mosaic_0001>
#map = affine_map<(d0, d1) -> (0, 0, 0)>
#map1 = affine_map<(d0, d1) -> (0, 0)>
module attributes {stable_mosaic.version = 14 : i64} {
  func.func @_deg_body(%arg0: i32, %arg1: i32, %arg2: memref<32x80x125xi32, #tpu.memory_space<hbm>>, %arg3: memref<125x128xf32, #tpu.memory_space<hbm>>, %arg4: memref<640x128xf32, #tpu.memory_space<hbm>>, %arg5: memref<2x10240x128xf32, #tpu.memory_space<hbm>>, %arg6: memref<80x125xi32, #tpu.memory_space<vmem>>, %arg7: memref<125x128xf32, #tpu.memory_space<vmem>>, %arg8: memref<10240x128xf32, #tpu.memory_space<vmem_shared>>) attributes {dimension_semantics = [#tpu.dimension_semantics<core_parallel>, #tpu.dimension_semantics<subcore_parallel>], iteration_bounds = array<i64: 2, 16>, scalar_prefetch = 0 : i64, scratch_operands = 3 : i64, tpu.core_type = #tpu.core_type<sc_vector_subcore>, window_params = [{transform_indices = #map}, {transform_indices = #map1}, {transform_indices = #map1}, {transform_indices = #map}]} {
    %mul3A = arith.constant 2 : i32
    %mul3A_0 = arith.muli %arg1, %mul3A : i32
    %add3A = arith.addi %mul3A_0, %arg0 : i32
    "tpu.region"() ({
      %run_scoped3A = tpu.sem_alloc : memref<!tpu.dma_semaphore, #tpu.memory_space<semaphore_mem>>
      %dma_start3A = arith.constant 0 : i32
      %dma_start3A_9 = arith.constant 0 : i32
      %dma_start3A_10 = tpu.memref_slice %arg2[%add3A, %dma_start3A, %dma_start3A_9] : memref<32x80x125xi32, #tpu.memory_space<hbm>> -> memref<1x80x125xi32, #tpu.memory_space<hbm>>
      %dma_start3A_11 = tpu.memref_squeeze %dma_start3A_10 : memref<1x80x125xi32, #tpu.memory_space<hbm>> -> memref<80x125xi32, #tpu.memory_space<hbm>>
      %dma_start3A_12 = arith.constant 0 : i32
      %dma_start3A_13 = arith.constant 0 : i32
      %dma_start3A_14 = tpu.memref_slice %arg2[%add3A, %dma_start3A_12, %dma_start3A_13] : memref<32x80x125xi32, #tpu.memory_space<hbm>> -> memref<1x80x125xi32, #tpu.memory_space<hbm>>
      %dma_start3A_15 = tpu.memref_squeeze %dma_start3A_14 : memref<1x80x125xi32, #tpu.memory_space<hbm>> -> memref<80x125xi32, #tpu.memory_space<hbm>>
      tpu.enqueue_dma source(%dma_start3A_15 : memref<80x125xi32, #tpu.memory_space<hbm>>) target(%arg6 : memref<80x125xi32, #tpu.memory_space<vmem>>) target_semaphore(%run_scoped3A : memref<!tpu.dma_semaphore, #tpu.memory_space<semaphore_mem>>)
      %dma_wait3A = arith.constant 0 : i32
      %dma_wait3A_16 = arith.constant 0 : i32
      %dma_wait3A_17 = tpu.memref_slice %arg2[%add3A, %dma_wait3A, %dma_wait3A_16] : memref<32x80x125xi32, #tpu.memory_space<hbm>> -> memref<1x80x125xi32, #tpu.memory_space<hbm>>
      %dma_wait3A_18 = tpu.memref_squeeze %dma_wait3A_17 : memref<1x80x125xi32, #tpu.memory_space<hbm>> -> memref<80x125xi32, #tpu.memory_space<hbm>>
      %dma_wait3A_19 = arith.constant 0 : i32
      %dma_wait3A_20 = arith.constant 0 : i32
      %dma_wait3A_21 = tpu.memref_slice %arg2[%add3A, %dma_wait3A_19, %dma_wait3A_20] : memref<32x80x125xi32, #tpu.memory_space<hbm>> -> memref<1x80x125xi32, #tpu.memory_space<hbm>>
      %dma_wait3A_22 = tpu.memref_squeeze %dma_wait3A_21 : memref<1x80x125xi32, #tpu.memory_space<hbm>> -> memref<80x125xi32, #tpu.memory_space<hbm>>
      tpu.wait_dma2 semaphore(%run_scoped3A : memref<!tpu.dma_semaphore, #tpu.memory_space<semaphore_mem>>) src(%dma_wait3A_22 : memref<80x125xi32, #tpu.memory_space<hbm>>) dst(%arg6 : memref<80x125xi32, #tpu.memory_space<vmem>>)
      tpu.yield
    }) : () -> ()
    "tpu.region"() ({
      %run_scoped3A = tpu.sem_alloc : memref<!tpu.dma_semaphore, #tpu.memory_space<semaphore_mem>>
      tpu.enqueue_dma source(%arg3 : memref<125x128xf32, #tpu.memory_space<hbm>>) target(%arg7 : memref<125x128xf32, #tpu.memory_space<vmem>>) target_semaphore(%run_scoped3A : memref<!tpu.dma_semaphore, #tpu.memory_space<semaphore_mem>>)
      tpu.wait_dma2 semaphore(%run_scoped3A : memref<!tpu.dma_semaphore, #tpu.memory_space<semaphore_mem>>) src(%arg3 : memref<125x128xf32, #tpu.memory_space<hbm>>) dst(%arg7 : memref<125x128xf32, #tpu.memory_space<vmem>>)
      tpu.yield
    }) : () -> ()
    %mul3A_1 = arith.constant 640 : i32
    %mul3A_2 = arith.muli %arg1, %mul3A_1 : i32
    "tpu.region"() ({
      %run_scoped3A = tpu.sem_alloc : memref<!tpu.dma_semaphore, #tpu.memory_space<semaphore_mem>>
      %dma_start3A = arith.constant 0 : i32
      %dma_start3A_9 = tpu.memref_slice %arg8[%mul3A_2, %dma_start3A] : memref<10240x128xf32, #tpu.memory_space<vmem_shared>> -> memref<640x128xf32, #tpu.memory_space<vmem_shared>>
      tpu.enqueue_dma source(%arg4 : memref<640x128xf32, #tpu.memory_space<hbm>>) target(%dma_start3A_9 : memref<640x128xf32, #tpu.memory_space<vmem_shared>>) target_semaphore(%run_scoped3A : memref<!tpu.dma_semaphore, #tpu.memory_space<semaphore_mem>>)
      %dma_wait3A = arith.constant 0 : i32
      %dma_wait3A_10 = tpu.memref_slice %arg8[%mul3A_2, %dma_wait3A] : memref<10240x128xf32, #tpu.memory_space<vmem_shared>> -> memref<640x128xf32, #tpu.memory_space<vmem_shared>>
      tpu.wait_dma2 semaphore(%run_scoped3A : memref<!tpu.dma_semaphore, #tpu.memory_space<semaphore_mem>>) src(%arg4 : memref<640x128xf32, #tpu.memory_space<hbm>>) dst(%dma_wait3A_10 : memref<640x128xf32, #tpu.memory_space<vmem_shared>>)
      tpu.yield
    }) : () -> ()
    %barrier3A = arith.constant 0 : index
    tpu.barrier barrier_id(%barrier3A)
    %scan3A = arith.constant 0 : i32
    %scan3A_3 = arith.constant 0 : i32
    %scan3A_4 = arith.constant 80 : i32
    %scan3A_5 = arith.addi %scan3A_3, %scan3A_4 : i32
    %scan3A_6 = arith.constant 1 : i32
    scf.for %scan3A_9 = %scan3A_3 to %scan3A_5 step %scan3A_6  : i32 {
      "tpu.region"() ({
        %run_scoped3A = tpu.sem_alloc : memref<!tpu.dma_semaphore, #tpu.memory_space<semaphore_mem>>
        %dma_start3A = arith.constant 0 : i32
        %dma_start3A_10 = tpu.memref_slice %arg6[%scan3A_9, %dma_start3A] : memref<80x125xi32, #tpu.memory_space<vmem>> -> memref<1x125xi32, #tpu.memory_space<vmem>>
        %dma_start3A_11 = tpu.memref_squeeze %dma_start3A_10 : memref<1x125xi32, #tpu.memory_space<vmem>> -> memref<125xi32, #tpu.memory_space<vmem>>
        %dma_start3A_12 = arith.constant 0 : i32
        %dma_start3A_13 = arith.constant 0 : i32
        %dma_start3A_14 = tpu.memref_slice %arg8[%dma_start3A_12, %dma_start3A_13] : memref<10240x128xf32, #tpu.memory_space<vmem_shared>> -> memref<10240x128xf32, #tpu.memory_space<vmem_shared>>
        tpu.enqueue_indirect_dma source(%arg7 : memref<125x128xf32, #tpu.memory_space<vmem>>) target(%dma_start3A_14 : memref<10240x128xf32, #tpu.memory_space<vmem_shared>>) offsets(%dma_start3A_11 : memref<125xi32, #tpu.memory_space<vmem>>) semaphore(%run_scoped3A : memref<!tpu.dma_semaphore, #tpu.memory_space<semaphore_mem>>) {add = true}
        %dma_wait3A = arith.constant 0 : i32
        %dma_wait3A_15 = tpu.memref_slice %arg6[%scan3A_9, %dma_wait3A] : memref<80x125xi32, #tpu.memory_space<vmem>> -> memref<1x125xi32, #tpu.memory_space<vmem>>
        %dma_wait3A_16 = tpu.memref_squeeze %dma_wait3A_15 : memref<1x125xi32, #tpu.memory_space<vmem>> -> memref<125xi32, #tpu.memory_space<vmem>>
        %dma_wait3A_17 = arith.constant 0 : i32
        %dma_wait3A_18 = arith.constant 0 : i32
        %dma_wait3A_19 = tpu.memref_slice %arg8[%dma_wait3A_17, %dma_wait3A_18] : memref<10240x128xf32, #tpu.memory_space<vmem_shared>> -> memref<10240x128xf32, #tpu.memory_space<vmem_shared>>
        tpu.wait_indirect_dma semaphore(%run_scoped3A : memref<!tpu.dma_semaphore, #tpu.memory_space<semaphore_mem>>) src(%arg7 : memref<125x128xf32, #tpu.memory_space<vmem>>) dst(%dma_wait3A_19 : memref<10240x128xf32, #tpu.memory_space<vmem_shared>>)
        tpu.yield
      }) : () -> ()
    }
    %scan3A_7 = arith.constant 80 : i32
    %barrier3A_8 = arith.constant 0 : index
    tpu.barrier barrier_id(%barrier3A_8)
    "tpu.region"() ({
      %run_scoped3A = tpu.sem_alloc : memref<!tpu.dma_semaphore, #tpu.memory_space<semaphore_mem>>
      %dma_start3A = arith.constant 0 : i32
      %dma_start3A_9 = tpu.memref_slice %arg5[%arg0, %mul3A_2, %dma_start3A] : memref<2x10240x128xf32, #tpu.memory_space<hbm>> -> memref<1x640x128xf32, #tpu.memory_space<hbm>>
      %dma_start3A_10 = tpu.memref_squeeze %dma_start3A_9 : memref<1x640x128xf32, #tpu.memory_space<hbm>> -> memref<640x128xf32, #tpu.memory_space<hbm>>
      %dma_start3A_11 = arith.constant 0 : i32
      %dma_start3A_12 = tpu.memref_slice %arg8[%mul3A_2, %dma_start3A_11] : memref<10240x128xf32, #tpu.memory_space<vmem_shared>> -> memref<640x128xf32, #tpu.memory_space<vmem_shared>>
      tpu.enqueue_dma source(%dma_start3A_12 : memref<640x128xf32, #tpu.memory_space<vmem_shared>>) target(%dma_start3A_10 : memref<640x128xf32, #tpu.memory_space<hbm>>) target_semaphore(%run_scoped3A : memref<!tpu.dma_semaphore, #tpu.memory_space<semaphore_mem>>)
      %dma_wait3A = arith.constant 0 : i32
      %dma_wait3A_13 = tpu.memref_slice %arg5[%arg0, %mul3A_2, %dma_wait3A] : memref<2x10240x128xf32, #tpu.memory_space<hbm>> -> memref<1x640x128xf32, #tpu.memory_space<hbm>>
      %dma_wait3A_14 = tpu.memref_squeeze %dma_wait3A_13 : memref<1x640x128xf32, #tpu.memory_space<hbm>> -> memref<640x128xf32, #tpu.memory_space<hbm>>
      %dma_wait3A_15 = arith.constant 0 : i32
      %dma_wait3A_16 = tpu.memref_slice %arg8[%mul3A_2, %dma_wait3A_15] : memref<10240x128xf32, #tpu.memory_space<vmem_shared>> -> memref<640x128xf32, #tpu.memory_space<vmem_shared>>
      tpu.wait_dma2 semaphore(%run_scoped3A : memref<!tpu.dma_semaphore, #tpu.memory_space<semaphore_mem>>) src(%dma_wait3A_16 : memref<640x128xf32, #tpu.memory_space<vmem_shared>>) dst(%dma_wait3A_14 : memref<640x128xf32, #tpu.memory_space<hbm>>)
      tpu.yield
    }) : () -> ()
    return
  }
}

#map = affine_map<(d0, d1) -> (0, 0)>
#map1 = affine_map<(d0, d1) -> (0, 0, 0)>
module attributes {stable_mosaic.version = 14 : i64} {
  func.func @_agg_body(%arg0: i32, %arg1: i32, %arg2: memref<10000x128xf32, #tpu.memory_space<hbm>>, %arg3: memref<32x80x125xi32, #tpu.memory_space<hbm>>, %arg4: memref<32x80x125xi32, #tpu.memory_space<hbm>>, %arg5: memref<640x128xf32, #tpu.memory_space<hbm>>, %arg6: memref<2x10240x128xf32, #tpu.memory_space<hbm>>, %arg7: memref<40x125xi32, #tpu.memory_space<vmem>>, %arg8: memref<40x125xi32, #tpu.memory_space<vmem>>, %arg9: memref<125x128xf32, #tpu.memory_space<vmem>>, %arg10: memref<125x128xf32, #tpu.memory_space<vmem>>, %arg11: memref<!tpu.dma_semaphore, #tpu.memory_space<semaphore_mem>>, %arg12: memref<!tpu.dma_semaphore, #tpu.memory_space<semaphore_mem>>, %arg13: memref<10240x128xf32, #tpu.memory_space<vmem_shared>>) attributes {dimension_semantics = [#tpu.dimension_semantics<core_parallel>, #tpu.dimension_semantics<subcore_parallel>], iteration_bounds = array<i64: 2, 16>, scalar_prefetch = 0 : i64, scratch_operands = 7 : i64, tpu.core_type = #tpu.core_type<sc_vector_subcore>, window_params = [{transform_indices = #map}, {transform_indices = #map1}, {transform_indices = #map1}, {transform_indices = #map}, {transform_indices = #map1}]} {
    %mul3A = arith.constant 2 : i32
    %mul3A_0 = arith.muli %arg1, %mul3A : i32
    %add3A = arith.addi %mul3A_0, %arg0 : i32
    %mul3A_1 = arith.constant 640 : i32
    %mul3A_2 = arith.muli %arg1, %mul3A_1 : i32
    "tpu.region"() ({
      %run_scoped3A = tpu.sem_alloc : memref<!tpu.dma_semaphore, #tpu.memory_space<semaphore_mem>>
      %dma_start3A_28 = arith.constant 0 : i32
      %dma_start3A_29 = tpu.memref_slice %arg13[%mul3A_2, %dma_start3A_28] : memref<10240x128xf32, #tpu.memory_space<vmem_shared>> -> memref<640x128xf32, #tpu.memory_space<vmem_shared>>
      tpu.enqueue_dma source(%arg5 : memref<640x128xf32, #tpu.memory_space<hbm>>) target(%dma_start3A_29 : memref<640x128xf32, #tpu.memory_space<vmem_shared>>) target_semaphore(%run_scoped3A : memref<!tpu.dma_semaphore, #tpu.memory_space<semaphore_mem>>)
      %dma_wait3A = arith.constant 0 : i32
      %dma_wait3A_30 = tpu.memref_slice %arg13[%mul3A_2, %dma_wait3A] : memref<10240x128xf32, #tpu.memory_space<vmem_shared>> -> memref<640x128xf32, #tpu.memory_space<vmem_shared>>
      tpu.wait_dma2 semaphore(%run_scoped3A : memref<!tpu.dma_semaphore, #tpu.memory_space<semaphore_mem>>) src(%arg5 : memref<640x128xf32, #tpu.memory_space<hbm>>) dst(%dma_wait3A_30 : memref<640x128xf32, #tpu.memory_space<vmem_shared>>)
      tpu.yield
    }) : () -> ()
    %barrier3A = arith.constant 0 : index
    tpu.barrier barrier_id(%barrier3A)
    "tpu.region"() ({
      %run_scoped3A = tpu.sem_alloc : memref<!tpu.dma_semaphore, #tpu.memory_space<semaphore_mem>>
      %dma_start3A_28 = arith.constant 0 : i32
      %dma_start3A_29 = arith.constant 0 : i32
      %dma_start3A_30 = tpu.memref_slice %arg3[%add3A, %dma_start3A_28, %dma_start3A_29] : memref<32x80x125xi32, #tpu.memory_space<hbm>> -> memref<1x40x125xi32, #tpu.memory_space<hbm>>
      %dma_start3A_31 = tpu.memref_squeeze %dma_start3A_30 : memref<1x40x125xi32, #tpu.memory_space<hbm>> -> memref<40x125xi32, #tpu.memory_space<hbm>>
      %dma_start3A_32 = arith.constant 0 : i32
      %dma_start3A_33 = arith.constant 0 : i32
      %dma_start3A_34 = tpu.memref_slice %arg3[%add3A, %dma_start3A_32, %dma_start3A_33] : memref<32x80x125xi32, #tpu.memory_space<hbm>> -> memref<1x40x125xi32, #tpu.memory_space<hbm>>
      %dma_start3A_35 = tpu.memref_squeeze %dma_start3A_34 : memref<1x40x125xi32, #tpu.memory_space<hbm>> -> memref<40x125xi32, #tpu.memory_space<hbm>>
      tpu.enqueue_dma source(%dma_start3A_35 : memref<40x125xi32, #tpu.memory_space<hbm>>) target(%arg7 : memref<40x125xi32, #tpu.memory_space<vmem>>) target_semaphore(%run_scoped3A : memref<!tpu.dma_semaphore, #tpu.memory_space<semaphore_mem>>)
      %dma_wait3A = arith.constant 0 : i32
      %dma_wait3A_36 = arith.constant 0 : i32
      %dma_wait3A_37 = tpu.memref_slice %arg3[%add3A, %dma_wait3A, %dma_wait3A_36] : memref<32x80x125xi32, #tpu.memory_space<hbm>> -> memref<1x40x125xi32, #tpu.memory_space<hbm>>
      %dma_wait3A_38 = tpu.memref_squeeze %dma_wait3A_37 : memref<1x40x125xi32, #tpu.memory_space<hbm>> -> memref<40x125xi32, #tpu.memory_space<hbm>>
      %dma_wait3A_39 = arith.constant 0 : i32
      %dma_wait3A_40 = arith.constant 0 : i32
      %dma_wait3A_41 = tpu.memref_slice %arg3[%add3A, %dma_wait3A_39, %dma_wait3A_40] : memref<32x80x125xi32, #tpu.memory_space<hbm>> -> memref<1x40x125xi32, #tpu.memory_space<hbm>>
      %dma_wait3A_42 = tpu.memref_squeeze %dma_wait3A_41 : memref<1x40x125xi32, #tpu.memory_space<hbm>> -> memref<40x125xi32, #tpu.memory_space<hbm>>
      tpu.wait_dma2 semaphore(%run_scoped3A : memref<!tpu.dma_semaphore, #tpu.memory_space<semaphore_mem>>) src(%dma_wait3A_42 : memref<40x125xi32, #tpu.memory_space<hbm>>) dst(%arg7 : memref<40x125xi32, #tpu.memory_space<vmem>>)
      tpu.yield
    }) : () -> ()
    "tpu.region"() ({
      %run_scoped3A = tpu.sem_alloc : memref<!tpu.dma_semaphore, #tpu.memory_space<semaphore_mem>>
      %dma_start3A_28 = arith.constant 0 : i32
      %dma_start3A_29 = arith.constant 0 : i32
      %dma_start3A_30 = tpu.memref_slice %arg4[%add3A, %dma_start3A_28, %dma_start3A_29] : memref<32x80x125xi32, #tpu.memory_space<hbm>> -> memref<1x40x125xi32, #tpu.memory_space<hbm>>
      %dma_start3A_31 = tpu.memref_squeeze %dma_start3A_30 : memref<1x40x125xi32, #tpu.memory_space<hbm>> -> memref<40x125xi32, #tpu.memory_space<hbm>>
      %dma_start3A_32 = arith.constant 0 : i32
      %dma_start3A_33 = arith.constant 0 : i32
      %dma_start3A_34 = tpu.memref_slice %arg4[%add3A, %dma_start3A_32, %dma_start3A_33] : memref<32x80x125xi32, #tpu.memory_space<hbm>> -> memref<1x40x125xi32, #tpu.memory_space<hbm>>
      %dma_start3A_35 = tpu.memref_squeeze %dma_start3A_34 : memref<1x40x125xi32, #tpu.memory_space<hbm>> -> memref<40x125xi32, #tpu.memory_space<hbm>>
      tpu.enqueue_dma source(%dma_start3A_35 : memref<40x125xi32, #tpu.memory_space<hbm>>) target(%arg8 : memref<40x125xi32, #tpu.memory_space<vmem>>) target_semaphore(%run_scoped3A : memref<!tpu.dma_semaphore, #tpu.memory_space<semaphore_mem>>)
      %dma_wait3A = arith.constant 0 : i32
      %dma_wait3A_36 = arith.constant 0 : i32
      %dma_wait3A_37 = tpu.memref_slice %arg4[%add3A, %dma_wait3A, %dma_wait3A_36] : memref<32x80x125xi32, #tpu.memory_space<hbm>> -> memref<1x40x125xi32, #tpu.memory_space<hbm>>
      %dma_wait3A_38 = tpu.memref_squeeze %dma_wait3A_37 : memref<1x40x125xi32, #tpu.memory_space<hbm>> -> memref<40x125xi32, #tpu.memory_space<hbm>>
      %dma_wait3A_39 = arith.constant 0 : i32
      %dma_wait3A_40 = arith.constant 0 : i32
      %dma_wait3A_41 = tpu.memref_slice %arg4[%add3A, %dma_wait3A_39, %dma_wait3A_40] : memref<32x80x125xi32, #tpu.memory_space<hbm>> -> memref<1x40x125xi32, #tpu.memory_space<hbm>>
      %dma_wait3A_42 = tpu.memref_squeeze %dma_wait3A_41 : memref<1x40x125xi32, #tpu.memory_space<hbm>> -> memref<40x125xi32, #tpu.memory_space<hbm>>
      tpu.wait_dma2 semaphore(%run_scoped3A : memref<!tpu.dma_semaphore, #tpu.memory_space<semaphore_mem>>) src(%dma_wait3A_42 : memref<40x125xi32, #tpu.memory_space<hbm>>) dst(%arg8 : memref<40x125xi32, #tpu.memory_space<vmem>>)
      tpu.yield
    }) : () -> ()
    %dma_start3A = arith.constant 0 : i32
    %dma_start3A_3 = arith.constant 0 : i32
    %dma_start3A_4 = tpu.memref_slice %arg7[%dma_start3A, %dma_start3A_3] : memref<40x125xi32, #tpu.memory_space<vmem>> -> memref<1x125xi32, #tpu.memory_space<vmem>>
    %dma_start3A_5 = tpu.memref_squeeze %dma_start3A_4 : memref<1x125xi32, #tpu.memory_space<vmem>> -> memref<125xi32, #tpu.memory_space<vmem>>
    %dma_start3A_6 = arith.constant 0 : i32
    %dma_start3A_7 = arith.constant 0 : i32
    %dma_start3A_8 = tpu.memref_slice %arg2[%dma_start3A_6, %dma_start3A_7] : memref<10000x128xf32, #tpu.memory_space<hbm>> -> memref<10000x128xf32, #tpu.memory_space<hbm>>
    tpu.enqueue_indirect_dma source(%dma_start3A_8 : memref<10000x128xf32, #tpu.memory_space<hbm>>) target(%arg9 : memref<125x128xf32, #tpu.memory_space<vmem>>) offsets(%dma_start3A_5 : memref<125xi32, #tpu.memory_space<vmem>>) semaphore(%arg11 : memref<!tpu.dma_semaphore, #tpu.memory_space<semaphore_mem>>)
    %scan3A = arith.constant 0 : i32
    %scan3A_9 = arith.constant 0 : i32
    %scan3A_10 = arith.constant 20 : i32
    %scan3A_11 = arith.addi %scan3A_9, %scan3A_10 : i32
    %scan3A_12 = arith.constant 1 : i32
    scf.for %scan3A_28 = %scan3A_9 to %scan3A_11 step %scan3A_12  : i32 {
      %mul3A_29 = arith.constant 2 : i32
      %mul3A_30 = arith.muli %mul3A_29, %scan3A_28 : i32
      %add3A_31 = arith.constant 1 : i32
      %add3A_32 = arith.addi %mul3A_30, %add3A_31 : i32
      %dma_start3A_33 = arith.constant 0 : i32
      %dma_start3A_34 = tpu.memref_slice %arg7[%add3A_32, %dma_start3A_33] : memref<40x125xi32, #tpu.memory_space<vmem>> -> memref<1x125xi32, #tpu.memory_space<vmem>>
      %dma_start3A_35 = tpu.memref_squeeze %dma_start3A_34 : memref<1x125xi32, #tpu.memory_space<vmem>> -> memref<125xi32, #tpu.memory_space<vmem>>
      %dma_start3A_36 = arith.constant 0 : i32
      %dma_start3A_37 = arith.constant 0 : i32
      %dma_start3A_38 = tpu.memref_slice %arg2[%dma_start3A_36, %dma_start3A_37] : memref<10000x128xf32, #tpu.memory_space<hbm>> -> memref<10000x128xf32, #tpu.memory_space<hbm>>
      tpu.enqueue_indirect_dma source(%dma_start3A_38 : memref<10000x128xf32, #tpu.memory_space<hbm>>) target(%arg10 : memref<125x128xf32, #tpu.memory_space<vmem>>) offsets(%dma_start3A_35 : memref<125xi32, #tpu.memory_space<vmem>>) semaphore(%arg12 : memref<!tpu.dma_semaphore, #tpu.memory_space<semaphore_mem>>)
      %dma_wait3A = arith.constant 0 : i32
      %dma_wait3A_39 = tpu.memref_slice %arg7[%mul3A_30, %dma_wait3A] : memref<40x125xi32, #tpu.memory_space<vmem>> -> memref<1x125xi32, #tpu.memory_space<vmem>>
      %dma_wait3A_40 = tpu.memref_squeeze %dma_wait3A_39 : memref<1x125xi32, #tpu.memory_space<vmem>> -> memref<125xi32, #tpu.memory_space<vmem>>
      %dma_wait3A_41 = arith.constant 0 : i32
      %dma_wait3A_42 = arith.constant 0 : i32
      %dma_wait3A_43 = tpu.memref_slice %arg2[%dma_wait3A_41, %dma_wait3A_42] : memref<10000x128xf32, #tpu.memory_space<hbm>> -> memref<10000x128xf32, #tpu.memory_space<hbm>>
      tpu.wait_indirect_dma semaphore(%arg11 : memref<!tpu.dma_semaphore, #tpu.memory_space<semaphore_mem>>) src(%dma_wait3A_43 : memref<10000x128xf32, #tpu.memory_space<hbm>>) dst(%arg9 : memref<125x128xf32, #tpu.memory_space<vmem>>)
      "tpu.region"() ({
        %run_scoped3A = tpu.sem_alloc : memref<!tpu.dma_semaphore, #tpu.memory_space<semaphore_mem>>
        %dma_start3A_58 = arith.constant 0 : i32
        %dma_start3A_59 = tpu.memref_slice %arg8[%mul3A_30, %dma_start3A_58] : memref<40x125xi32, #tpu.memory_space<vmem>> -> memref<1x125xi32, #tpu.memory_space<vmem>>
        %dma_start3A_60 = tpu.memref_squeeze %dma_start3A_59 : memref<1x125xi32, #tpu.memory_space<vmem>> -> memref<125xi32, #tpu.memory_space<vmem>>
        %dma_start3A_61 = arith.constant 0 : i32
        %dma_start3A_62 = arith.constant 0 : i32
        %dma_start3A_63 = tpu.memref_slice %arg13[%dma_start3A_61, %dma_start3A_62] : memref<10240x128xf32, #tpu.memory_space<vmem_shared>> -> memref<10240x128xf32, #tpu.memory_space<vmem_shared>>
        tpu.enqueue_indirect_dma source(%arg9 : memref<125x128xf32, #tpu.memory_space<vmem>>) target(%dma_start3A_63 : memref<10240x128xf32, #tpu.memory_space<vmem_shared>>) offsets(%dma_start3A_60 : memref<125xi32, #tpu.memory_space<vmem>>) semaphore(%run_scoped3A : memref<!tpu.dma_semaphore, #tpu.memory_space<semaphore_mem>>) {add = true}
        %dma_wait3A_64 = arith.constant 0 : i32
        %dma_wait3A_65 = tpu.memref_slice %arg8[%mul3A_30, %dma_wait3A_64] : memref<40x125xi32, #tpu.memory_space<vmem>> -> memref<1x125xi32, #tpu.memory_space<vmem>>
        %dma_wait3A_66 = tpu.memref_squeeze %dma_wait3A_65 : memref<1x125xi32, #tpu.memory_space<vmem>> -> memref<125xi32, #tpu.memory_space<vmem>>
        %dma_wait3A_67 = arith.constant 0 : i32
        %dma_wait3A_68 = arith.constant 0 : i32
        %dma_wait3A_69 = tpu.memref_slice %arg13[%dma_wait3A_67, %dma_wait3A_68] : memref<10240x128xf32, #tpu.memory_space<vmem_shared>> -> memref<10240x128xf32, #tpu.memory_space<vmem_shared>>
        tpu.wait_indirect_dma semaphore(%run_scoped3A : memref<!tpu.dma_semaphore, #tpu.memory_space<semaphore_mem>>) src(%arg9 : memref<125x128xf32, #tpu.memory_space<vmem>>) dst(%dma_wait3A_69 : memref<10240x128xf32, #tpu.memory_space<vmem_shared>>)
        tpu.yield
      }) : () -> ()
      %add3A_44 = arith.constant 2 : i32
      %add3A_45 = arith.addi %mul3A_30, %add3A_44 : i32
      %lt3A = arith.constant 40 : i32
      %lt3A_46 = arith.cmpi slt, %add3A_45, %lt3A : i32
      %convert_element_type3A = arith.extui %lt3A_46 : i1 to i32
      %cond3A = arith.constant 0 : i32
      %cond3A_47 = arith.cmpi ne, %convert_element_type3A, %cond3A : i32
      scf.if %cond3A_47 {
        %add3A_58 = arith.constant 2 : i32
        %add3A_59 = arith.addi %mul3A_30, %add3A_58 : i32
        %dma_start3A_60 = arith.constant 0 : i32
        %dma_start3A_61 = tpu.memref_slice %arg7[%add3A_59, %dma_start3A_60] : memref<40x125xi32, #tpu.memory_space<vmem>> -> memref<1x125xi32, #tpu.memory_space<vmem>>
        %dma_start3A_62 = tpu.memref_squeeze %dma_start3A_61 : memref<1x125xi32, #tpu.memory_space<vmem>> -> memref<125xi32, #tpu.memory_space<vmem>>
        %dma_start3A_63 = arith.constant 0 : i32
        %dma_start3A_64 = arith.constant 0 : i32
        %dma_start3A_65 = tpu.memref_slice %arg2[%dma_start3A_63, %dma_start3A_64] : memref<10000x128xf32, #tpu.memory_space<hbm>> -> memref<10000x128xf32, #tpu.memory_space<hbm>>
        tpu.enqueue_indirect_dma source(%dma_start3A_65 : memref<10000x128xf32, #tpu.memory_space<hbm>>) target(%arg9 : memref<125x128xf32, #tpu.memory_space<vmem>>) offsets(%dma_start3A_62 : memref<125xi32, #tpu.memory_space<vmem>>) semaphore(%arg11 : memref<!tpu.dma_semaphore, #tpu.memory_space<semaphore_mem>>)
      } else {
      }
      %add3A_48 = arith.constant 1 : i32
      %add3A_49 = arith.addi %mul3A_30, %add3A_48 : i32
      %dma_wait3A_50 = arith.constant 0 : i32
      %dma_wait3A_51 = tpu.memref_slice %arg7[%add3A_49, %dma_wait3A_50] : memref<40x125xi32, #tpu.memory_space<vmem>> -> memref<1x125xi32, #tpu.memory_space<vmem>>
      %dma_wait3A_52 = tpu.memref_squeeze %dma_wait3A_51 : memref<1x125xi32, #tpu.memory_space<vmem>> -> memref<125xi32, #tpu.memory_space<vmem>>
      %dma_wait3A_53 = arith.constant 0 : i32
      %dma_wait3A_54 = arith.constant 0 : i32
      %dma_wait3A_55 = tpu.memref_slice %arg2[%dma_wait3A_53, %dma_wait3A_54] : memref<10000x128xf32, #tpu.memory_space<hbm>> -> memref<10000x128xf32, #tpu.memory_space<hbm>>
      tpu.wait_indirect_dma semaphore(%arg12 : memref<!tpu.dma_semaphore, #tpu.memory_space<semaphore_mem>>) src(%dma_wait3A_55 : memref<10000x128xf32, #tpu.memory_space<hbm>>) dst(%arg10 : memref<125x128xf32, #tpu.memory_space<vmem>>)
      %add3A_56 = arith.constant 1 : i32
      %add3A_57 = arith.addi %mul3A_30, %add3A_56 : i32
      "tpu.region"() ({
        %run_scoped3A = tpu.sem_alloc : memref<!tpu.dma_semaphore, #tpu.memory_space<semaphore_mem>>
        %dma_start3A_58 = arith.constant 0 : i32
        %dma_start3A_59 = tpu.memref_slice %arg8[%add3A_57, %dma_start3A_58] : memref<40x125xi32, #tpu.memory_space<vmem>> -> memref<1x125xi32, #tpu.memory_space<vmem>>
        %dma_start3A_60 = tpu.memref_squeeze %dma_start3A_59 : memref<1x125xi32, #tpu.memory_space<vmem>> -> memref<125xi32, #tpu.memory_space<vmem>>
        %dma_start3A_61 = arith.constant 0 : i32
        %dma_start3A_62 = arith.constant 0 : i32
        %dma_start3A_63 = tpu.memref_slice %arg13[%dma_start3A_61, %dma_start3A_62] : memref<10240x128xf32, #tpu.memory_space<vmem_shared>> -> memref<10240x128xf32, #tpu.memory_space<vmem_shared>>
        tpu.enqueue_indirect_dma source(%arg10 : memref<125x128xf32, #tpu.memory_space<vmem>>) target(%dma_start3A_63 : memref<10240x128xf32, #tpu.memory_space<vmem_shared>>) offsets(%dma_start3A_60 : memref<125xi32, #tpu.memory_space<vmem>>) semaphore(%run_scoped3A : memref<!tpu.dma_semaphore, #tpu.memory_space<semaphore_mem>>) {add = true}
        %dma_wait3A_64 = arith.constant 0 : i32
        %dma_wait3A_65 = tpu.memref_slice %arg8[%add3A_57, %dma_wait3A_64] : memref<40x125xi32, #tpu.memory_space<vmem>> -> memref<1x125xi32, #tpu.memory_space<vmem>>
        %dma_wait3A_66 = tpu.memref_squeeze %dma_wait3A_65 : memref<1x125xi32, #tpu.memory_space<vmem>> -> memref<125xi32, #tpu.memory_space<vmem>>
        %dma_wait3A_67 = arith.constant 0 : i32
        %dma_wait3A_68 = arith.constant 0 : i32
        %dma_wait3A_69 = tpu.memref_slice %arg13[%dma_wait3A_67, %dma_wait3A_68] : memref<10240x128xf32, #tpu.memory_space<vmem_shared>> -> memref<10240x128xf32, #tpu.memory_space<vmem_shared>>
        tpu.wait_indirect_dma semaphore(%run_scoped3A : memref<!tpu.dma_semaphore, #tpu.memory_space<semaphore_mem>>) src(%arg10 : memref<125x128xf32, #tpu.memory_space<vmem>>) dst(%dma_wait3A_69 : memref<10240x128xf32, #tpu.memory_space<vmem_shared>>)
        tpu.yield
      }) : () -> ()
    }
    %scan3A_13 = arith.constant 20 : i32
    "tpu.region"() ({
      %run_scoped3A = tpu.sem_alloc : memref<!tpu.dma_semaphore, #tpu.memory_space<semaphore_mem>>
      %dma_start3A_28 = arith.constant 40 : i32
      %dma_start3A_29 = arith.constant 0 : i32
      %dma_start3A_30 = tpu.memref_slice %arg3[%add3A, %dma_start3A_28, %dma_start3A_29] : memref<32x80x125xi32, #tpu.memory_space<hbm>> -> memref<1x40x125xi32, #tpu.memory_space<hbm>>
      %dma_start3A_31 = tpu.memref_squeeze %dma_start3A_30 : memref<1x40x125xi32, #tpu.memory_space<hbm>> -> memref<40x125xi32, #tpu.memory_space<hbm>>
      %dma_start3A_32 = arith.constant 40 : i32
      %dma_start3A_33 = arith.constant 0 : i32
      %dma_start3A_34 = tpu.memref_slice %arg3[%add3A, %dma_start3A_32, %dma_start3A_33] : memref<32x80x125xi32, #tpu.memory_space<hbm>> -> memref<1x40x125xi32, #tpu.memory_space<hbm>>
      %dma_start3A_35 = tpu.memref_squeeze %dma_start3A_34 : memref<1x40x125xi32, #tpu.memory_space<hbm>> -> memref<40x125xi32, #tpu.memory_space<hbm>>
      tpu.enqueue_dma source(%dma_start3A_35 : memref<40x125xi32, #tpu.memory_space<hbm>>) target(%arg7 : memref<40x125xi32, #tpu.memory_space<vmem>>) target_semaphore(%run_scoped3A : memref<!tpu.dma_semaphore, #tpu.memory_space<semaphore_mem>>)
      %dma_wait3A = arith.constant 40 : i32
      %dma_wait3A_36 = arith.constant 0 : i32
      %dma_wait3A_37 = tpu.memref_slice %arg3[%add3A, %dma_wait3A, %dma_wait3A_36] : memref<32x80x125xi32, #tpu.memory_space<hbm>> -> memref<1x40x125xi32, #tpu.memory_space<hbm>>
      %dma_wait3A_38 = tpu.memref_squeeze %dma_wait3A_37 : memref<1x40x125xi32, #tpu.memory_space<hbm>> -> memref<40x125xi32, #tpu.memory_space<hbm>>
      %dma_wait3A_39 = arith.constant 40 : i32
      %dma_wait3A_40 = arith.constant 0 : i32
      %dma_wait3A_41 = tpu.memref_slice %arg3[%add3A, %dma_wait3A_39, %dma_wait3A_40] : memref<32x80x125xi32, #tpu.memory_space<hbm>> -> memref<1x40x125xi32, #tpu.memory_space<hbm>>
      %dma_wait3A_42 = tpu.memref_squeeze %dma_wait3A_41 : memref<1x40x125xi32, #tpu.memory_space<hbm>> -> memref<40x125xi32, #tpu.memory_space<hbm>>
      tpu.wait_dma2 semaphore(%run_scoped3A : memref<!tpu.dma_semaphore, #tpu.memory_space<semaphore_mem>>) src(%dma_wait3A_42 : memref<40x125xi32, #tpu.memory_space<hbm>>) dst(%arg7 : memref<40x125xi32, #tpu.memory_space<vmem>>)
      tpu.yield
    }) : () -> ()
    "tpu.region"() ({
      %run_scoped3A = tpu.sem_alloc : memref<!tpu.dma_semaphore, #tpu.memory_space<semaphore_mem>>
      %dma_start3A_28 = arith.constant 40 : i32
      %dma_start3A_29 = arith.constant 0 : i32
      %dma_start3A_30 = tpu.memref_slice %arg4[%add3A, %dma_start3A_28, %dma_start3A_29] : memref<32x80x125xi32, #tpu.memory_space<hbm>> -> memref<1x40x125xi32, #tpu.memory_space<hbm>>
      %dma_start3A_31 = tpu.memref_squeeze %dma_start3A_30 : memref<1x40x125xi32, #tpu.memory_space<hbm>> -> memref<40x125xi32, #tpu.memory_space<hbm>>
      %dma_start3A_32 = arith.constant 40 : i32
      %dma_start3A_33 = arith.constant 0 : i32
      %dma_start3A_34 = tpu.memref_slice %arg4[%add3A, %dma_start3A_32, %dma_start3A_33] : memref<32x80x125xi32, #tpu.memory_space<hbm>> -> memref<1x40x125xi32, #tpu.memory_space<hbm>>
      %dma_start3A_35 = tpu.memref_squeeze %dma_start3A_34 : memref<1x40x125xi32, #tpu.memory_space<hbm>> -> memref<40x125xi32, #tpu.memory_space<hbm>>
      tpu.enqueue_dma source(%dma_start3A_35 : memref<40x125xi32, #tpu.memory_space<hbm>>) target(%arg8 : memref<40x125xi32, #tpu.memory_space<vmem>>) target_semaphore(%run_scoped3A : memref<!tpu.dma_semaphore, #tpu.memory_space<semaphore_mem>>)
      %dma_wait3A = arith.constant 40 : i32
      %dma_wait3A_36 = arith.constant 0 : i32
      %dma_wait3A_37 = tpu.memref_slice %arg4[%add3A, %dma_wait3A, %dma_wait3A_36] : memref<32x80x125xi32, #tpu.memory_space<hbm>> -> memref<1x40x125xi32, #tpu.memory_space<hbm>>
      %dma_wait3A_38 = tpu.memref_squeeze %dma_wait3A_37 : memref<1x40x125xi32, #tpu.memory_space<hbm>> -> memref<40x125xi32, #tpu.memory_space<hbm>>
      %dma_wait3A_39 = arith.constant 40 : i32
      %dma_wait3A_40 = arith.constant 0 : i32
      %dma_wait3A_41 = tpu.memref_slice %arg4[%add3A, %dma_wait3A_39, %dma_wait3A_40] : memref<32x80x125xi32, #tpu.memory_space<hbm>> -> memref<1x40x125xi32, #tpu.memory_space<hbm>>
      %dma_wait3A_42 = tpu.memref_squeeze %dma_wait3A_41 : memref<1x40x125xi32, #tpu.memory_space<hbm>> -> memref<40x125xi32, #tpu.memory_space<hbm>>
      tpu.wait_dma2 semaphore(%run_scoped3A : memref<!tpu.dma_semaphore, #tpu.memory_space<semaphore_mem>>) src(%dma_wait3A_42 : memref<40x125xi32, #tpu.memory_space<hbm>>) dst(%arg8 : memref<40x125xi32, #tpu.memory_space<vmem>>)
      tpu.yield
    }) : () -> ()
    %dma_start3A_14 = arith.constant 0 : i32
    %dma_start3A_15 = arith.constant 0 : i32
    %dma_start3A_16 = tpu.memref_slice %arg7[%dma_start3A_14, %dma_start3A_15] : memref<40x125xi32, #tpu.memory_space<vmem>> -> memref<1x125xi32, #tpu.memory_space<vmem>>
    %dma_start3A_17 = tpu.memref_squeeze %dma_start3A_16 : memref<1x125xi32, #tpu.memory_space<vmem>> -> memref<125xi32, #tpu.memory_space<vmem>>
    %dma_start3A_18 = arith.constant 0 : i32
    %dma_start3A_19 = arith.constant 0 : i32
    %dma_start3A_20 = tpu.memref_slice %arg2[%dma_start3A_18, %dma_start3A_19] : memref<10000x128xf32, #tpu.memory_space<hbm>> -> memref<10000x128xf32, #tpu.memory_space<hbm>>
    tpu.enqueue_indirect_dma source(%dma_start3A_20 : memref<10000x128xf32, #tpu.memory_space<hbm>>) target(%arg9 : memref<125x128xf32, #tpu.memory_space<vmem>>) offsets(%dma_start3A_17 : memref<125xi32, #tpu.memory_space<vmem>>) semaphore(%arg11 : memref<!tpu.dma_semaphore, #tpu.memory_space<semaphore_mem>>)
    %scan3A_21 = arith.constant 0 : i32
    %scan3A_22 = arith.constant 0 : i32
    %scan3A_23 = arith.constant 20 : i32
    %scan3A_24 = arith.addi %scan3A_22, %scan3A_23 : i32
    %scan3A_25 = arith.constant 1 : i32
    scf.for %scan3A_28 = %scan3A_22 to %scan3A_24 step %scan3A_25  : i32 {
      %mul3A_29 = arith.constant 2 : i32
      %mul3A_30 = arith.muli %mul3A_29, %scan3A_28 : i32
      %add3A_31 = arith.constant 1 : i32
      %add3A_32 = arith.addi %mul3A_30, %add3A_31 : i32
      %dma_start3A_33 = arith.constant 0 : i32
      %dma_start3A_34 = tpu.memref_slice %arg7[%add3A_32, %dma_start3A_33] : memref<40x125xi32, #tpu.memory_space<vmem>> -> memref<1x125xi32, #tpu.memory_space<vmem>>
      %dma_start3A_35 = tpu.memref_squeeze %dma_start3A_34 : memref<1x125xi32, #tpu.memory_space<vmem>> -> memref<125xi32, #tpu.memory_space<vmem>>
      %dma_start3A_36 = arith.constant 0 : i32
      %dma_start3A_37 = arith.constant 0 : i32
      %dma_start3A_38 = tpu.memref_slice %arg2[%dma_start3A_36, %dma_start3A_37] : memref<10000x128xf32, #tpu.memory_space<hbm>> -> memref<10000x128xf32, #tpu.memory_space<hbm>>
      tpu.enqueue_indirect_dma source(%dma_start3A_38 : memref<10000x128xf32, #tpu.memory_space<hbm>>) target(%arg10 : memref<125x128xf32, #tpu.memory_space<vmem>>) offsets(%dma_start3A_35 : memref<125xi32, #tpu.memory_space<vmem>>) semaphore(%arg12 : memref<!tpu.dma_semaphore, #tpu.memory_space<semaphore_mem>>)
      %dma_wait3A = arith.constant 0 : i32
      %dma_wait3A_39 = tpu.memref_slice %arg7[%mul3A_30, %dma_wait3A] : memref<40x125xi32, #tpu.memory_space<vmem>> -> memref<1x125xi32, #tpu.memory_space<vmem>>
      %dma_wait3A_40 = tpu.memref_squeeze %dma_wait3A_39 : memref<1x125xi32, #tpu.memory_space<vmem>> -> memref<125xi32, #tpu.memory_space<vmem>>
      %dma_wait3A_41 = arith.constant 0 : i32
      %dma_wait3A_42 = arith.constant 0 : i32
      %dma_wait3A_43 = tpu.memref_slice %arg2[%dma_wait3A_41, %dma_wait3A_42] : memref<10000x128xf32, #tpu.memory_space<hbm>> -> memref<10000x128xf32, #tpu.memory_space<hbm>>
      tpu.wait_indirect_dma semaphore(%arg11 : memref<!tpu.dma_semaphore, #tpu.memory_space<semaphore_mem>>) src(%dma_wait3A_43 : memref<10000x128xf32, #tpu.memory_space<hbm>>) dst(%arg9 : memref<125x128xf32, #tpu.memory_space<vmem>>)
      "tpu.region"() ({
        %run_scoped3A = tpu.sem_alloc : memref<!tpu.dma_semaphore, #tpu.memory_space<semaphore_mem>>
        %dma_start3A_58 = arith.constant 0 : i32
        %dma_start3A_59 = tpu.memref_slice %arg8[%mul3A_30, %dma_start3A_58] : memref<40x125xi32, #tpu.memory_space<vmem>> -> memref<1x125xi32, #tpu.memory_space<vmem>>
        %dma_start3A_60 = tpu.memref_squeeze %dma_start3A_59 : memref<1x125xi32, #tpu.memory_space<vmem>> -> memref<125xi32, #tpu.memory_space<vmem>>
        %dma_start3A_61 = arith.constant 0 : i32
        %dma_start3A_62 = arith.constant 0 : i32
        %dma_start3A_63 = tpu.memref_slice %arg13[%dma_start3A_61, %dma_start3A_62] : memref<10240x128xf32, #tpu.memory_space<vmem_shared>> -> memref<10240x128xf32, #tpu.memory_space<vmem_shared>>
        tpu.enqueue_indirect_dma source(%arg9 : memref<125x128xf32, #tpu.memory_space<vmem>>) target(%dma_start3A_63 : memref<10240x128xf32, #tpu.memory_space<vmem_shared>>) offsets(%dma_start3A_60 : memref<125xi32, #tpu.memory_space<vmem>>) semaphore(%run_scoped3A : memref<!tpu.dma_semaphore, #tpu.memory_space<semaphore_mem>>) {add = true}
        %dma_wait3A_64 = arith.constant 0 : i32
        %dma_wait3A_65 = tpu.memref_slice %arg8[%mul3A_30, %dma_wait3A_64] : memref<40x125xi32, #tpu.memory_space<vmem>> -> memref<1x125xi32, #tpu.memory_space<vmem>>
        %dma_wait3A_66 = tpu.memref_squeeze %dma_wait3A_65 : memref<1x125xi32, #tpu.memory_space<vmem>> -> memref<125xi32, #tpu.memory_space<vmem>>
        %dma_wait3A_67 = arith.constant 0 : i32
        %dma_wait3A_68 = arith.constant 0 : i32
        %dma_wait3A_69 = tpu.memref_slice %arg13[%dma_wait3A_67, %dma_wait3A_68] : memref<10240x128xf32, #tpu.memory_space<vmem_shared>> -> memref<10240x128xf32, #tpu.memory_space<vmem_shared>>
        tpu.wait_indirect_dma semaphore(%run_scoped3A : memref<!tpu.dma_semaphore, #tpu.memory_space<semaphore_mem>>) src(%arg9 : memref<125x128xf32, #tpu.memory_space<vmem>>) dst(%dma_wait3A_69 : memref<10240x128xf32, #tpu.memory_space<vmem_shared>>)
        tpu.yield
      }) : () -> ()
      %add3A_44 = arith.constant 2 : i32
      %add3A_45 = arith.addi %mul3A_30, %add3A_44 : i32
      %lt3A = arith.constant 40 : i32
      %lt3A_46 = arith.cmpi slt, %add3A_45, %lt3A : i32
      %convert_element_type3A = arith.extui %lt3A_46 : i1 to i32
      %cond3A = arith.constant 0 : i32
      %cond3A_47 = arith.cmpi ne, %convert_element_type3A, %cond3A : i32
      scf.if %cond3A_47 {
        %add3A_58 = arith.constant 2 : i32
        %add3A_59 = arith.addi %mul3A_30, %add3A_58 : i32
        %dma_start3A_60 = arith.constant 0 : i32
        %dma_start3A_61 = tpu.memref_slice %arg7[%add3A_59, %dma_start3A_60] : memref<40x125xi32, #tpu.memory_space<vmem>> -> memref<1x125xi32, #tpu.memory_space<vmem>>
        %dma_start3A_62 = tpu.memref_squeeze %dma_start3A_61 : memref<1x125xi32, #tpu.memory_space<vmem>> -> memref<125xi32, #tpu.memory_space<vmem>>
        %dma_start3A_63 = arith.constant 0 : i32
        %dma_start3A_64 = arith.constant 0 : i32
        %dma_start3A_65 = tpu.memref_slice %arg2[%dma_start3A_63, %dma_start3A_64] : memref<10000x128xf32, #tpu.memory_space<hbm>> -> memref<10000x128xf32, #tpu.memory_space<hbm>>
        tpu.enqueue_indirect_dma source(%dma_start3A_65 : memref<10000x128xf32, #tpu.memory_space<hbm>>) target(%arg9 : memref<125x128xf32, #tpu.memory_space<vmem>>) offsets(%dma_start3A_62 : memref<125xi32, #tpu.memory_space<vmem>>) semaphore(%arg11 : memref<!tpu.dma_semaphore, #tpu.memory_space<semaphore_mem>>)
      } else {
      }
      %add3A_48 = arith.constant 1 : i32
      %add3A_49 = arith.addi %mul3A_30, %add3A_48 : i32
      %dma_wait3A_50 = arith.constant 0 : i32
      %dma_wait3A_51 = tpu.memref_slice %arg7[%add3A_49, %dma_wait3A_50] : memref<40x125xi32, #tpu.memory_space<vmem>> -> memref<1x125xi32, #tpu.memory_space<vmem>>
      %dma_wait3A_52 = tpu.memref_squeeze %dma_wait3A_51 : memref<1x125xi32, #tpu.memory_space<vmem>> -> memref<125xi32, #tpu.memory_space<vmem>>
      %dma_wait3A_53 = arith.constant 0 : i32
      %dma_wait3A_54 = arith.constant 0 : i32
      %dma_wait3A_55 = tpu.memref_slice %arg2[%dma_wait3A_53, %dma_wait3A_54] : memref<10000x128xf32, #tpu.memory_space<hbm>> -> memref<10000x128xf32, #tpu.memory_space<hbm>>
      tpu.wait_indirect_dma semaphore(%arg12 : memref<!tpu.dma_semaphore, #tpu.memory_space<semaphore_mem>>) src(%dma_wait3A_55 : memref<10000x128xf32, #tpu.memory_space<hbm>>) dst(%arg10 : memref<125x128xf32, #tpu.memory_space<vmem>>)
      %add3A_56 = arith.constant 1 : i32
      %add3A_57 = arith.addi %mul3A_30, %add3A_56 : i32
      "tpu.region"() ({
        %run_scoped3A = tpu.sem_alloc : memref<!tpu.dma_semaphore, #tpu.memory_space<semaphore_mem>>
        %dma_start3A_58 = arith.constant 0 : i32
        %dma_start3A_59 = tpu.memref_slice %arg8[%add3A_57, %dma_start3A_58] : memref<40x125xi32, #tpu.memory_space<vmem>> -> memref<1x125xi32, #tpu.memory_space<vmem>>
        %dma_start3A_60 = tpu.memref_squeeze %dma_start3A_59 : memref<1x125xi32, #tpu.memory_space<vmem>> -> memref<125xi32, #tpu.memory_space<vmem>>
        %dma_start3A_61 = arith.constant 0 : i32
        %dma_start3A_62 = arith.constant 0 : i32
        %dma_start3A_63 = tpu.memref_slice %arg13[%dma_start3A_61, %dma_start3A_62] : memref<10240x128xf32, #tpu.memory_space<vmem_shared>> -> memref<10240x128xf32, #tpu.memory_space<vmem_shared>>
        tpu.enqueue_indirect_dma source(%arg10 : memref<125x128xf32, #tpu.memory_space<vmem>>) target(%dma_start3A_63 : memref<10240x128xf32, #tpu.memory_space<vmem_shared>>) offsets(%dma_start3A_60 : memref<125xi32, #tpu.memory_space<vmem>>) semaphore(%run_scoped3A : memref<!tpu.dma_semaphore, #tpu.memory_space<semaphore_mem>>) {add = true}
        %dma_wait3A_64 = arith.constant 0 : i32
        %dma_wait3A_65 = tpu.memref_slice %arg8[%add3A_57, %dma_wait3A_64] : memref<40x125xi32, #tpu.memory_space<vmem>> -> memref<1x125xi32, #tpu.memory_space<vmem>>
        %dma_wait3A_66 = tpu.memref_squeeze %dma_wait3A_65 : memref<1x125xi32, #tpu.memory_space<vmem>> -> memref<125xi32, #tpu.memory_space<vmem>>
        %dma_wait3A_67 = arith.constant 0 : i32
        %dma_wait3A_68 = arith.constant 0 : i32
        %dma_wait3A_69 = tpu.memref_slice %arg13[%dma_wait3A_67, %dma_wait3A_68] : memref<10240x128xf32, #tpu.memory_space<vmem_shared>> -> memref<10240x128xf32, #tpu.memory_space<vmem_shared>>
        tpu.wait_indirect_dma semaphore(%run_scoped3A : memref<!tpu.dma_semaphore, #tpu.memory_space<semaphore_mem>>) src(%arg10 : memref<125x128xf32, #tpu.memory_space<vmem>>) dst(%dma_wait3A_69 : memref<10240x128xf32, #tpu.memory_space<vmem_shared>>)
        tpu.yield
      }) : () -> ()
    }
    %scan3A_26 = arith.constant 20 : i32
    %barrier3A_27 = arith.constant 0 : index
    tpu.barrier barrier_id(%barrier3A_27)
    "tpu.region"() ({
      %run_scoped3A = tpu.sem_alloc : memref<!tpu.dma_semaphore, #tpu.memory_space<semaphore_mem>>
      %dma_start3A_28 = arith.constant 0 : i32
      %dma_start3A_29 = tpu.memref_slice %arg6[%arg0, %mul3A_2, %dma_start3A_28] : memref<2x10240x128xf32, #tpu.memory_space<hbm>> -> memref<1x640x128xf32, #tpu.memory_space<hbm>>
      %dma_start3A_30 = tpu.memref_squeeze %dma_start3A_29 : memref<1x640x128xf32, #tpu.memory_space<hbm>> -> memref<640x128xf32, #tpu.memory_space<hbm>>
      %dma_start3A_31 = arith.constant 0 : i32
      %dma_start3A_32 = tpu.memref_slice %arg13[%mul3A_2, %dma_start3A_31] : memref<10240x128xf32, #tpu.memory_space<vmem_shared>> -> memref<640x128xf32, #tpu.memory_space<vmem_shared>>
      tpu.enqueue_dma source(%dma_start3A_32 : memref<640x128xf32, #tpu.memory_space<vmem_shared>>) target(%dma_start3A_30 : memref<640x128xf32, #tpu.memory_space<hbm>>) target_semaphore(%run_scoped3A : memref<!tpu.dma_semaphore, #tpu.memory_space<semaphore_mem>>)
      %dma_wait3A = arith.constant 0 : i32
      %dma_wait3A_33 = tpu.memref_slice %arg6[%arg0, %mul3A_2, %dma_wait3A] : memref<2x10240x128xf32, #tpu.memory_space<hbm>> -> memref<1x640x128xf32, #tpu.memory_space<hbm>>
      %dma_wait3A_34 = tpu.memref_squeeze %dma_wait3A_33 : memref<1x640x128xf32, #tpu.memory_space<hbm>> -> memref<640x128xf32, #tpu.memory_space<hbm>>
      %dma_wait3A_35 = arith.constant 0 : i32
      %dma_wait3A_36 = tpu.memref_slice %arg13[%mul3A_2, %dma_wait3A_35] : memref<10240x128xf32, #tpu.memory_space<vmem_shared>> -> memref<640x128xf32, #tpu.memory_space<vmem_shared>>
      tpu.wait_dma2 semaphore(%run_scoped3A : memref<!tpu.dma_semaphore, #tpu.memory_space<semaphore_mem>>) src(%dma_wait3A_36 : memref<640x128xf32, #tpu.memory_space<vmem_shared>>) dst(%dma_wait3A_34 : memref<640x128xf32, #tpu.memory_space<hbm>>)
      tpu.yield
    }) : () -> ()
    return
  }
}

#map = affine_map<(d0, d1) -> (0, 0)>
#map1 = affine_map<(d0, d1) -> (0, 0, 0)>
module attributes {stable_mosaic.version = 14 : i64} {
  func.func @_agg_body(%arg0: i32, %arg1: i32, %arg2: memref<10000x128xf32, #tpu.memory_space<hbm>>, %arg3: memref<32x80x125xi32, #tpu.memory_space<hbm>>, %arg4: memref<32x80x125xi32, #tpu.memory_space<hbm>>, %arg5: memref<640x128xf32, #tpu.memory_space<hbm>>, %arg6: memref<2x10240x128xf32, #tpu.memory_space<hbm>>, %arg7: memref<40x125xi32, #tpu.memory_space<vmem>>, %arg8: memref<40x125xi32, #tpu.memory_space<vmem>>, %arg9: memref<125x128xf32, #tpu.memory_space<vmem>>, %arg10: memref<125x128xf32, #tpu.memory_space<vmem>>, %arg11: memref<!tpu.dma_semaphore, #tpu.memory_space<semaphore_mem>>, %arg12: memref<!tpu.dma_semaphore, #tpu.memory_space<semaphore_mem>>, %arg13: memref<10240x128xf32, #tpu.memory_space<vmem_shared>>) attributes {dimension_semantics = [#tpu.dimension_semantics<core_parallel>, #tpu.dimension_semantics<subcore_parallel>], iteration_bounds = array<i64: 2, 16>, scalar_prefetch = 0 : i64, scratch_operands = 7 : i64, tpu.core_type = #tpu.core_type<sc_vector_subcore>, window_params = [{transform_indices = #map}, {transform_indices = #map1}, {transform_indices = #map1}, {transform_indices = #map}, {transform_indices = #map1}]} {
    %mul3A = arith.constant 2 : i32
    %mul3A_0 = arith.muli %arg1, %mul3A : i32
    %add3A = arith.addi %mul3A_0, %arg0 : i32
    %mul3A_1 = arith.constant 640 : i32
    %mul3A_2 = arith.muli %arg1, %mul3A_1 : i32
    "tpu.region"() ({
      %run_scoped3A = tpu.sem_alloc : memref<!tpu.dma_semaphore, #tpu.memory_space<semaphore_mem>>
      %dma_start3A_28 = arith.constant 0 : i32
      %dma_start3A_29 = tpu.memref_slice %arg13[%mul3A_2, %dma_start3A_28] : memref<10240x128xf32, #tpu.memory_space<vmem_shared>> -> memref<640x128xf32, #tpu.memory_space<vmem_shared>>
      tpu.enqueue_dma source(%arg5 : memref<640x128xf32, #tpu.memory_space<hbm>>) target(%dma_start3A_29 : memref<640x128xf32, #tpu.memory_space<vmem_shared>>) target_semaphore(%run_scoped3A : memref<!tpu.dma_semaphore, #tpu.memory_space<semaphore_mem>>)
      %dma_wait3A = arith.constant 0 : i32
      %dma_wait3A_30 = tpu.memref_slice %arg13[%mul3A_2, %dma_wait3A] : memref<10240x128xf32, #tpu.memory_space<vmem_shared>> -> memref<640x128xf32, #tpu.memory_space<vmem_shared>>
      tpu.wait_dma2 semaphore(%run_scoped3A : memref<!tpu.dma_semaphore, #tpu.memory_space<semaphore_mem>>) src(%arg5 : memref<640x128xf32, #tpu.memory_space<hbm>>) dst(%dma_wait3A_30 : memref<640x128xf32, #tpu.memory_space<vmem_shared>>)
      tpu.yield
    }) : () -> ()
    %barrier3A = arith.constant 0 : index
    tpu.barrier barrier_id(%barrier3A)
    "tpu.region"() ({
      %run_scoped3A = tpu.sem_alloc : memref<!tpu.dma_semaphore, #tpu.memory_space<semaphore_mem>>
      %dma_start3A_28 = arith.constant 0 : i32
      %dma_start3A_29 = arith.constant 0 : i32
      %dma_start3A_30 = tpu.memref_slice %arg3[%add3A, %dma_start3A_28, %dma_start3A_29] : memref<32x80x125xi32, #tpu.memory_space<hbm>> -> memref<1x40x125xi32, #tpu.memory_space<hbm>>
      %dma_start3A_31 = tpu.memref_squeeze %dma_start3A_30 : memref<1x40x125xi32, #tpu.memory_space<hbm>> -> memref<40x125xi32, #tpu.memory_space<hbm>>
      %dma_start3A_32 = arith.constant 0 : i32
      %dma_start3A_33 = arith.constant 0 : i32
      %dma_start3A_34 = tpu.memref_slice %arg3[%add3A, %dma_start3A_32, %dma_start3A_33] : memref<32x80x125xi32, #tpu.memory_space<hbm>> -> memref<1x40x125xi32, #tpu.memory_space<hbm>>
      %dma_start3A_35 = tpu.memref_squeeze %dma_start3A_34 : memref<1x40x125xi32, #tpu.memory_space<hbm>> -> memref<40x125xi32, #tpu.memory_space<hbm>>
      tpu.enqueue_dma source(%dma_start3A_35 : memref<40x125xi32, #tpu.memory_space<hbm>>) target(%arg7 : memref<40x125xi32, #tpu.memory_space<vmem>>) target_semaphore(%run_scoped3A : memref<!tpu.dma_semaphore, #tpu.memory_space<semaphore_mem>>)
      %dma_wait3A = arith.constant 0 : i32
      %dma_wait3A_36 = arith.constant 0 : i32
      %dma_wait3A_37 = tpu.memref_slice %arg3[%add3A, %dma_wait3A, %dma_wait3A_36] : memref<32x80x125xi32, #tpu.memory_space<hbm>> -> memref<1x40x125xi32, #tpu.memory_space<hbm>>
      %dma_wait3A_38 = tpu.memref_squeeze %dma_wait3A_37 : memref<1x40x125xi32, #tpu.memory_space<hbm>> -> memref<40x125xi32, #tpu.memory_space<hbm>>
      %dma_wait3A_39 = arith.constant 0 : i32
      %dma_wait3A_40 = arith.constant 0 : i32
      %dma_wait3A_41 = tpu.memref_slice %arg3[%add3A, %dma_wait3A_39, %dma_wait3A_40] : memref<32x80x125xi32, #tpu.memory_space<hbm>> -> memref<1x40x125xi32, #tpu.memory_space<hbm>>
      %dma_wait3A_42 = tpu.memref_squeeze %dma_wait3A_41 : memref<1x40x125xi32, #tpu.memory_space<hbm>> -> memref<40x125xi32, #tpu.memory_space<hbm>>
      tpu.wait_dma2 semaphore(%run_scoped3A : memref<!tpu.dma_semaphore, #tpu.memory_space<semaphore_mem>>) src(%dma_wait3A_42 : memref<40x125xi32, #tpu.memory_space<hbm>>) dst(%arg7 : memref<40x125xi32, #tpu.memory_space<vmem>>)
      tpu.yield
    }) : () -> ()
    "tpu.region"() ({
      %run_scoped3A = tpu.sem_alloc : memref<!tpu.dma_semaphore, #tpu.memory_space<semaphore_mem>>
      %dma_start3A_28 = arith.constant 0 : i32
      %dma_start3A_29 = arith.constant 0 : i32
      %dma_start3A_30 = tpu.memref_slice %arg4[%add3A, %dma_start3A_28, %dma_start3A_29] : memref<32x80x125xi32, #tpu.memory_space<hbm>> -> memref<1x40x125xi32, #tpu.memory_space<hbm>>
      %dma_start3A_31 = tpu.memref_squeeze %dma_start3A_30 : memref<1x40x125xi32, #tpu.memory_space<hbm>> -> memref<40x125xi32, #tpu.memory_space<hbm>>
      %dma_start3A_32 = arith.constant 0 : i32
      %dma_start3A_33 = arith.constant 0 : i32
      %dma_start3A_34 = tpu.memref_slice %arg4[%add3A, %dma_start3A_32, %dma_start3A_33] : memref<32x80x125xi32, #tpu.memory_space<hbm>> -> memref<1x40x125xi32, #tpu.memory_space<hbm>>
      %dma_start3A_35 = tpu.memref_squeeze %dma_start3A_34 : memref<1x40x125xi32, #tpu.memory_space<hbm>> -> memref<40x125xi32, #tpu.memory_space<hbm>>
      tpu.enqueue_dma source(%dma_start3A_35 : memref<40x125xi32, #tpu.memory_space<hbm>>) target(%arg8 : memref<40x125xi32, #tpu.memory_space<vmem>>) target_semaphore(%run_scoped3A : memref<!tpu.dma_semaphore, #tpu.memory_space<semaphore_mem>>)
      %dma_wait3A = arith.constant 0 : i32
      %dma_wait3A_36 = arith.constant 0 : i32
      %dma_wait3A_37 = tpu.memref_slice %arg4[%add3A, %dma_wait3A, %dma_wait3A_36] : memref<32x80x125xi32, #tpu.memory_space<hbm>> -> memref<1x40x125xi32, #tpu.memory_space<hbm>>
      %dma_wait3A_38 = tpu.memref_squeeze %dma_wait3A_37 : memref<1x40x125xi32, #tpu.memory_space<hbm>> -> memref<40x125xi32, #tpu.memory_space<hbm>>
      %dma_wait3A_39 = arith.constant 0 : i32
      %dma_wait3A_40 = arith.constant 0 : i32
      %dma_wait3A_41 = tpu.memref_slice %arg4[%add3A, %dma_wait3A_39, %dma_wait3A_40] : memref<32x80x125xi32, #tpu.memory_space<hbm>> -> memref<1x40x125xi32, #tpu.memory_space<hbm>>
      %dma_wait3A_42 = tpu.memref_squeeze %dma_wait3A_41 : memref<1x40x125xi32, #tpu.memory_space<hbm>> -> memref<40x125xi32, #tpu.memory_space<hbm>>
      tpu.wait_dma2 semaphore(%run_scoped3A : memref<!tpu.dma_semaphore, #tpu.memory_space<semaphore_mem>>) src(%dma_wait3A_42 : memref<40x125xi32, #tpu.memory_space<hbm>>) dst(%arg8 : memref<40x125xi32, #tpu.memory_space<vmem>>)
      tpu.yield
    }) : () -> ()
    %dma_start3A = arith.constant 0 : i32
    %dma_start3A_3 = arith.constant 0 : i32
    %dma_start3A_4 = tpu.memref_slice %arg7[%dma_start3A, %dma_start3A_3] : memref<40x125xi32, #tpu.memory_space<vmem>> -> memref<1x125xi32, #tpu.memory_space<vmem>>
    %dma_start3A_5 = tpu.memref_squeeze %dma_start3A_4 : memref<1x125xi32, #tpu.memory_space<vmem>> -> memref<125xi32, #tpu.memory_space<vmem>>
    %dma_start3A_6 = arith.constant 0 : i32
    %dma_start3A_7 = arith.constant 0 : i32
    %dma_start3A_8 = tpu.memref_slice %arg2[%dma_start3A_6, %dma_start3A_7] : memref<10000x128xf32, #tpu.memory_space<hbm>> -> memref<10000x128xf32, #tpu.memory_space<hbm>>
    tpu.enqueue_indirect_dma source(%dma_start3A_8 : memref<10000x128xf32, #tpu.memory_space<hbm>>) target(%arg9 : memref<125x128xf32, #tpu.memory_space<vmem>>) offsets(%dma_start3A_5 : memref<125xi32, #tpu.memory_space<vmem>>) semaphore(%arg11 : memref<!tpu.dma_semaphore, #tpu.memory_space<semaphore_mem>>)
    %scan3A = arith.constant 0 : i32
    %scan3A_9 = arith.constant 0 : i32
    %scan3A_10 = arith.constant 20 : i32
    %scan3A_11 = arith.addi %scan3A_9, %scan3A_10 : i32
    %scan3A_12 = arith.constant 1 : i32
    scf.for %scan3A_28 = %scan3A_9 to %scan3A_11 step %scan3A_12  : i32 {
      %mul3A_29 = arith.constant 2 : i32
      %mul3A_30 = arith.muli %mul3A_29, %scan3A_28 : i32
      %add3A_31 = arith.constant 1 : i32
      %add3A_32 = arith.addi %mul3A_30, %add3A_31 : i32
      %dma_start3A_33 = arith.constant 0 : i32
      %dma_start3A_34 = tpu.memref_slice %arg7[%add3A_32, %dma_start3A_33] : memref<40x125xi32, #tpu.memory_space<vmem>> -> memref<1x125xi32, #tpu.memory_space<vmem>>
      %dma_start3A_35 = tpu.memref_squeeze %dma_start3A_34 : memref<1x125xi32, #tpu.memory_space<vmem>> -> memref<125xi32, #tpu.memory_space<vmem>>
      %dma_start3A_36 = arith.constant 0 : i32
      %dma_start3A_37 = arith.constant 0 : i32
      %dma_start3A_38 = tpu.memref_slice %arg2[%dma_start3A_36, %dma_start3A_37] : memref<10000x128xf32, #tpu.memory_space<hbm>> -> memref<10000x128xf32, #tpu.memory_space<hbm>>
      tpu.enqueue_indirect_dma source(%dma_start3A_38 : memref<10000x128xf32, #tpu.memory_space<hbm>>) target(%arg10 : memref<125x128xf32, #tpu.memory_space<vmem>>) offsets(%dma_start3A_35 : memref<125xi32, #tpu.memory_space<vmem>>) semaphore(%arg12 : memref<!tpu.dma_semaphore, #tpu.memory_space<semaphore_mem>>)
      %dma_wait3A = arith.constant 0 : i32
      %dma_wait3A_39 = tpu.memref_slice %arg7[%mul3A_30, %dma_wait3A] : memref<40x125xi32, #tpu.memory_space<vmem>> -> memref<1x125xi32, #tpu.memory_space<vmem>>
      %dma_wait3A_40 = tpu.memref_squeeze %dma_wait3A_39 : memref<1x125xi32, #tpu.memory_space<vmem>> -> memref<125xi32, #tpu.memory_space<vmem>>
      %dma_wait3A_41 = arith.constant 0 : i32
      %dma_wait3A_42 = arith.constant 0 : i32
      %dma_wait3A_43 = tpu.memref_slice %arg2[%dma_wait3A_41, %dma_wait3A_42] : memref<10000x128xf32, #tpu.memory_space<hbm>> -> memref<10000x128xf32, #tpu.memory_space<hbm>>
      tpu.wait_indirect_dma semaphore(%arg11 : memref<!tpu.dma_semaphore, #tpu.memory_space<semaphore_mem>>) src(%dma_wait3A_43 : memref<10000x128xf32, #tpu.memory_space<hbm>>) dst(%arg9 : memref<125x128xf32, #tpu.memory_space<vmem>>)
      "tpu.region"() ({
        %run_scoped3A = tpu.sem_alloc : memref<!tpu.dma_semaphore, #tpu.memory_space<semaphore_mem>>
        %dma_start3A_58 = arith.constant 0 : i32
        %dma_start3A_59 = tpu.memref_slice %arg8[%mul3A_30, %dma_start3A_58] : memref<40x125xi32, #tpu.memory_space<vmem>> -> memref<1x125xi32, #tpu.memory_space<vmem>>
        %dma_start3A_60 = tpu.memref_squeeze %dma_start3A_59 : memref<1x125xi32, #tpu.memory_space<vmem>> -> memref<125xi32, #tpu.memory_space<vmem>>
        %dma_start3A_61 = arith.constant 0 : i32
        %dma_start3A_62 = arith.constant 0 : i32
        %dma_start3A_63 = tpu.memref_slice %arg13[%dma_start3A_61, %dma_start3A_62] : memref<10240x128xf32, #tpu.memory_space<vmem_shared>> -> memref<10240x128xf32, #tpu.memory_space<vmem_shared>>
        tpu.enqueue_indirect_dma source(%arg9 : memref<125x128xf32, #tpu.memory_space<vmem>>) target(%dma_start3A_63 : memref<10240x128xf32, #tpu.memory_space<vmem_shared>>) offsets(%dma_start3A_60 : memref<125xi32, #tpu.memory_space<vmem>>) semaphore(%run_scoped3A : memref<!tpu.dma_semaphore, #tpu.memory_space<semaphore_mem>>) {add = true}
        %dma_wait3A_64 = arith.constant 0 : i32
        %dma_wait3A_65 = tpu.memref_slice %arg8[%mul3A_30, %dma_wait3A_64] : memref<40x125xi32, #tpu.memory_space<vmem>> -> memref<1x125xi32, #tpu.memory_space<vmem>>
        %dma_wait3A_66 = tpu.memref_squeeze %dma_wait3A_65 : memref<1x125xi32, #tpu.memory_space<vmem>> -> memref<125xi32, #tpu.memory_space<vmem>>
        %dma_wait3A_67 = arith.constant 0 : i32
        %dma_wait3A_68 = arith.constant 0 : i32
        %dma_wait3A_69 = tpu.memref_slice %arg13[%dma_wait3A_67, %dma_wait3A_68] : memref<10240x128xf32, #tpu.memory_space<vmem_shared>> -> memref<10240x128xf32, #tpu.memory_space<vmem_shared>>
        tpu.wait_indirect_dma semaphore(%run_scoped3A : memref<!tpu.dma_semaphore, #tpu.memory_space<semaphore_mem>>) src(%arg9 : memref<125x128xf32, #tpu.memory_space<vmem>>) dst(%dma_wait3A_69 : memref<10240x128xf32, #tpu.memory_space<vmem_shared>>)
        tpu.yield
      }) : () -> ()
      %add3A_44 = arith.constant 2 : i32
      %add3A_45 = arith.addi %mul3A_30, %add3A_44 : i32
      %lt3A = arith.constant 40 : i32
      %lt3A_46 = arith.cmpi slt, %add3A_45, %lt3A : i32
      %convert_element_type3A = arith.extui %lt3A_46 : i1 to i32
      %cond3A = arith.constant 0 : i32
      %cond3A_47 = arith.cmpi ne, %convert_element_type3A, %cond3A : i32
      scf.if %cond3A_47 {
        %add3A_58 = arith.constant 2 : i32
        %add3A_59 = arith.addi %mul3A_30, %add3A_58 : i32
        %dma_start3A_60 = arith.constant 0 : i32
        %dma_start3A_61 = tpu.memref_slice %arg7[%add3A_59, %dma_start3A_60] : memref<40x125xi32, #tpu.memory_space<vmem>> -> memref<1x125xi32, #tpu.memory_space<vmem>>
        %dma_start3A_62 = tpu.memref_squeeze %dma_start3A_61 : memref<1x125xi32, #tpu.memory_space<vmem>> -> memref<125xi32, #tpu.memory_space<vmem>>
        %dma_start3A_63 = arith.constant 0 : i32
        %dma_start3A_64 = arith.constant 0 : i32
        %dma_start3A_65 = tpu.memref_slice %arg2[%dma_start3A_63, %dma_start3A_64] : memref<10000x128xf32, #tpu.memory_space<hbm>> -> memref<10000x128xf32, #tpu.memory_space<hbm>>
        tpu.enqueue_indirect_dma source(%dma_start3A_65 : memref<10000x128xf32, #tpu.memory_space<hbm>>) target(%arg9 : memref<125x128xf32, #tpu.memory_space<vmem>>) offsets(%dma_start3A_62 : memref<125xi32, #tpu.memory_space<vmem>>) semaphore(%arg11 : memref<!tpu.dma_semaphore, #tpu.memory_space<semaphore_mem>>)
      } else {
      }
      %add3A_48 = arith.constant 1 : i32
      %add3A_49 = arith.addi %mul3A_30, %add3A_48 : i32
      %dma_wait3A_50 = arith.constant 0 : i32
      %dma_wait3A_51 = tpu.memref_slice %arg7[%add3A_49, %dma_wait3A_50] : memref<40x125xi32, #tpu.memory_space<vmem>> -> memref<1x125xi32, #tpu.memory_space<vmem>>
      %dma_wait3A_52 = tpu.memref_squeeze %dma_wait3A_51 : memref<1x125xi32, #tpu.memory_space<vmem>> -> memref<125xi32, #tpu.memory_space<vmem>>
      %dma_wait3A_53 = arith.constant 0 : i32
      %dma_wait3A_54 = arith.constant 0 : i32
      %dma_wait3A_55 = tpu.memref_slice %arg2[%dma_wait3A_53, %dma_wait3A_54] : memref<10000x128xf32, #tpu.memory_space<hbm>> -> memref<10000x128xf32, #tpu.memory_space<hbm>>
      tpu.wait_indirect_dma semaphore(%arg12 : memref<!tpu.dma_semaphore, #tpu.memory_space<semaphore_mem>>) src(%dma_wait3A_55 : memref<10000x128xf32, #tpu.memory_space<hbm>>) dst(%arg10 : memref<125x128xf32, #tpu.memory_space<vmem>>)
      %add3A_56 = arith.constant 1 : i32
      %add3A_57 = arith.addi %mul3A_30, %add3A_56 : i32
      "tpu.region"() ({
        %run_scoped3A = tpu.sem_alloc : memref<!tpu.dma_semaphore, #tpu.memory_space<semaphore_mem>>
        %dma_start3A_58 = arith.constant 0 : i32
        %dma_start3A_59 = tpu.memref_slice %arg8[%add3A_57, %dma_start3A_58] : memref<40x125xi32, #tpu.memory_space<vmem>> -> memref<1x125xi32, #tpu.memory_space<vmem>>
        %dma_start3A_60 = tpu.memref_squeeze %dma_start3A_59 : memref<1x125xi32, #tpu.memory_space<vmem>> -> memref<125xi32, #tpu.memory_space<vmem>>
        %dma_start3A_61 = arith.constant 0 : i32
        %dma_start3A_62 = arith.constant 0 : i32
        %dma_start3A_63 = tpu.memref_slice %arg13[%dma_start3A_61, %dma_start3A_62] : memref<10240x128xf32, #tpu.memory_space<vmem_shared>> -> memref<10240x128xf32, #tpu.memory_space<vmem_shared>>
        tpu.enqueue_indirect_dma source(%arg10 : memref<125x128xf32, #tpu.memory_space<vmem>>) target(%dma_start3A_63 : memref<10240x128xf32, #tpu.memory_space<vmem_shared>>) offsets(%dma_start3A_60 : memref<125xi32, #tpu.memory_space<vmem>>) semaphore(%run_scoped3A : memref<!tpu.dma_semaphore, #tpu.memory_space<semaphore_mem>>) {add = true}
        %dma_wait3A_64 = arith.constant 0 : i32
        %dma_wait3A_65 = tpu.memref_slice %arg8[%add3A_57, %dma_wait3A_64] : memref<40x125xi32, #tpu.memory_space<vmem>> -> memref<1x125xi32, #tpu.memory_space<vmem>>
        %dma_wait3A_66 = tpu.memref_squeeze %dma_wait3A_65 : memref<1x125xi32, #tpu.memory_space<vmem>> -> memref<125xi32, #tpu.memory_space<vmem>>
        %dma_wait3A_67 = arith.constant 0 : i32
        %dma_wait3A_68 = arith.constant 0 : i32
        %dma_wait3A_69 = tpu.memref_slice %arg13[%dma_wait3A_67, %dma_wait3A_68] : memref<10240x128xf32, #tpu.memory_space<vmem_shared>> -> memref<10240x128xf32, #tpu.memory_space<vmem_shared>>
        tpu.wait_indirect_dma semaphore(%run_scoped3A : memref<!tpu.dma_semaphore, #tpu.memory_space<semaphore_mem>>) src(%arg10 : memref<125x128xf32, #tpu.memory_space<vmem>>) dst(%dma_wait3A_69 : memref<10240x128xf32, #tpu.memory_space<vmem_shared>>)
        tpu.yield
      }) : () -> ()
    }
    %scan3A_13 = arith.constant 20 : i32
    "tpu.region"() ({
      %run_scoped3A = tpu.sem_alloc : memref<!tpu.dma_semaphore, #tpu.memory_space<semaphore_mem>>
      %dma_start3A_28 = arith.constant 40 : i32
      %dma_start3A_29 = arith.constant 0 : i32
      %dma_start3A_30 = tpu.memref_slice %arg3[%add3A, %dma_start3A_28, %dma_start3A_29] : memref<32x80x125xi32, #tpu.memory_space<hbm>> -> memref<1x40x125xi32, #tpu.memory_space<hbm>>
      %dma_start3A_31 = tpu.memref_squeeze %dma_start3A_30 : memref<1x40x125xi32, #tpu.memory_space<hbm>> -> memref<40x125xi32, #tpu.memory_space<hbm>>
      %dma_start3A_32 = arith.constant 40 : i32
      %dma_start3A_33 = arith.constant 0 : i32
      %dma_start3A_34 = tpu.memref_slice %arg3[%add3A, %dma_start3A_32, %dma_start3A_33] : memref<32x80x125xi32, #tpu.memory_space<hbm>> -> memref<1x40x125xi32, #tpu.memory_space<hbm>>
      %dma_start3A_35 = tpu.memref_squeeze %dma_start3A_34 : memref<1x40x125xi32, #tpu.memory_space<hbm>> -> memref<40x125xi32, #tpu.memory_space<hbm>>
      tpu.enqueue_dma source(%dma_start3A_35 : memref<40x125xi32, #tpu.memory_space<hbm>>) target(%arg7 : memref<40x125xi32, #tpu.memory_space<vmem>>) target_semaphore(%run_scoped3A : memref<!tpu.dma_semaphore, #tpu.memory_space<semaphore_mem>>)
      %dma_wait3A = arith.constant 40 : i32
      %dma_wait3A_36 = arith.constant 0 : i32
      %dma_wait3A_37 = tpu.memref_slice %arg3[%add3A, %dma_wait3A, %dma_wait3A_36] : memref<32x80x125xi32, #tpu.memory_space<hbm>> -> memref<1x40x125xi32, #tpu.memory_space<hbm>>
      %dma_wait3A_38 = tpu.memref_squeeze %dma_wait3A_37 : memref<1x40x125xi32, #tpu.memory_space<hbm>> -> memref<40x125xi32, #tpu.memory_space<hbm>>
      %dma_wait3A_39 = arith.constant 40 : i32
      %dma_wait3A_40 = arith.constant 0 : i32
      %dma_wait3A_41 = tpu.memref_slice %arg3[%add3A, %dma_wait3A_39, %dma_wait3A_40] : memref<32x80x125xi32, #tpu.memory_space<hbm>> -> memref<1x40x125xi32, #tpu.memory_space<hbm>>
      %dma_wait3A_42 = tpu.memref_squeeze %dma_wait3A_41 : memref<1x40x125xi32, #tpu.memory_space<hbm>> -> memref<40x125xi32, #tpu.memory_space<hbm>>
      tpu.wait_dma2 semaphore(%run_scoped3A : memref<!tpu.dma_semaphore, #tpu.memory_space<semaphore_mem>>) src(%dma_wait3A_42 : memref<40x125xi32, #tpu.memory_space<hbm>>) dst(%arg7 : memref<40x125xi32, #tpu.memory_space<vmem>>)
      tpu.yield
    }) : () -> ()
    "tpu.region"() ({
      %run_scoped3A = tpu.sem_alloc : memref<!tpu.dma_semaphore, #tpu.memory_space<semaphore_mem>>
      %dma_start3A_28 = arith.constant 40 : i32
      %dma_start3A_29 = arith.constant 0 : i32
      %dma_start3A_30 = tpu.memref_slice %arg4[%add3A, %dma_start3A_28, %dma_start3A_29] : memref<32x80x125xi32, #tpu.memory_space<hbm>> -> memref<1x40x125xi32, #tpu.memory_space<hbm>>
      %dma_start3A_31 = tpu.memref_squeeze %dma_start3A_30 : memref<1x40x125xi32, #tpu.memory_space<hbm>> -> memref<40x125xi32, #tpu.memory_space<hbm>>
      %dma_start3A_32 = arith.constant 40 : i32
      %dma_start3A_33 = arith.constant 0 : i32
      %dma_start3A_34 = tpu.memref_slice %arg4[%add3A, %dma_start3A_32, %dma_start3A_33] : memref<32x80x125xi32, #tpu.memory_space<hbm>> -> memref<1x40x125xi32, #tpu.memory_space<hbm>>
      %dma_start3A_35 = tpu.memref_squeeze %dma_start3A_34 : memref<1x40x125xi32, #tpu.memory_space<hbm>> -> memref<40x125xi32, #tpu.memory_space<hbm>>
      tpu.enqueue_dma source(%dma_start3A_35 : memref<40x125xi32, #tpu.memory_space<hbm>>) target(%arg8 : memref<40x125xi32, #tpu.memory_space<vmem>>) target_semaphore(%run_scoped3A : memref<!tpu.dma_semaphore, #tpu.memory_space<semaphore_mem>>)
      %dma_wait3A = arith.constant 40 : i32
      %dma_wait3A_36 = arith.constant 0 : i32
      %dma_wait3A_37 = tpu.memref_slice %arg4[%add3A, %dma_wait3A, %dma_wait3A_36] : memref<32x80x125xi32, #tpu.memory_space<hbm>> -> memref<1x40x125xi32, #tpu.memory_space<hbm>>
      %dma_wait3A_38 = tpu.memref_squeeze %dma_wait3A_37 : memref<1x40x125xi32, #tpu.memory_space<hbm>> -> memref<40x125xi32, #tpu.memory_space<hbm>>
      %dma_wait3A_39 = arith.constant 40 : i32
      %dma_wait3A_40 = arith.constant 0 : i32
      %dma_wait3A_41 = tpu.memref_slice %arg4[%add3A, %dma_wait3A_39, %dma_wait3A_40] : memref<32x80x125xi32, #tpu.memory_space<hbm>> -> memref<1x40x125xi32, #tpu.memory_space<hbm>>
      %dma_wait3A_42 = tpu.memref_squeeze %dma_wait3A_41 : memref<1x40x125xi32, #tpu.memory_space<hbm>> -> memref<40x125xi32, #tpu.memory_space<hbm>>
      tpu.wait_dma2 semaphore(%run_scoped3A : memref<!tpu.dma_semaphore, #tpu.memory_space<semaphore_mem>>) src(%dma_wait3A_42 : memref<40x125xi32, #tpu.memory_space<hbm>>) dst(%arg8 : memref<40x125xi32, #tpu.memory_space<vmem>>)
      tpu.yield
    }) : () -> ()
    %dma_start3A_14 = arith.constant 0 : i32
    %dma_start3A_15 = arith.constant 0 : i32
    %dma_start3A_16 = tpu.memref_slice %arg7[%dma_start3A_14, %dma_start3A_15] : memref<40x125xi32, #tpu.memory_space<vmem>> -> memref<1x125xi32, #tpu.memory_space<vmem>>
    %dma_start3A_17 = tpu.memref_squeeze %dma_start3A_16 : memref<1x125xi32, #tpu.memory_space<vmem>> -> memref<125xi32, #tpu.memory_space<vmem>>
    %dma_start3A_18 = arith.constant 0 : i32
    %dma_start3A_19 = arith.constant 0 : i32
    %dma_start3A_20 = tpu.memref_slice %arg2[%dma_start3A_18, %dma_start3A_19] : memref<10000x128xf32, #tpu.memory_space<hbm>> -> memref<10000x128xf32, #tpu.memory_space<hbm>>
    tpu.enqueue_indirect_dma source(%dma_start3A_20 : memref<10000x128xf32, #tpu.memory_space<hbm>>) target(%arg9 : memref<125x128xf32, #tpu.memory_space<vmem>>) offsets(%dma_start3A_17 : memref<125xi32, #tpu.memory_space<vmem>>) semaphore(%arg11 : memref<!tpu.dma_semaphore, #tpu.memory_space<semaphore_mem>>)
    %scan3A_21 = arith.constant 0 : i32
    %scan3A_22 = arith.constant 0 : i32
    %scan3A_23 = arith.constant 20 : i32
    %scan3A_24 = arith.addi %scan3A_22, %scan3A_23 : i32
    %scan3A_25 = arith.constant 1 : i32
    scf.for %scan3A_28 = %scan3A_22 to %scan3A_24 step %scan3A_25  : i32 {
      %mul3A_29 = arith.constant 2 : i32
      %mul3A_30 = arith.muli %mul3A_29, %scan3A_28 : i32
      %add3A_31 = arith.constant 1 : i32
      %add3A_32 = arith.addi %mul3A_30, %add3A_31 : i32
      %dma_start3A_33 = arith.constant 0 : i32
      %dma_start3A_34 = tpu.memref_slice %arg7[%add3A_32, %dma_start3A_33] : memref<40x125xi32, #tpu.memory_space<vmem>> -> memref<1x125xi32, #tpu.memory_space<vmem>>
      %dma_start3A_35 = tpu.memref_squeeze %dma_start3A_34 : memref<1x125xi32, #tpu.memory_space<vmem>> -> memref<125xi32, #tpu.memory_space<vmem>>
      %dma_start3A_36 = arith.constant 0 : i32
      %dma_start3A_37 = arith.constant 0 : i32
      %dma_start3A_38 = tpu.memref_slice %arg2[%dma_start3A_36, %dma_start3A_37] : memref<10000x128xf32, #tpu.memory_space<hbm>> -> memref<10000x128xf32, #tpu.memory_space<hbm>>
      tpu.enqueue_indirect_dma source(%dma_start3A_38 : memref<10000x128xf32, #tpu.memory_space<hbm>>) target(%arg10 : memref<125x128xf32, #tpu.memory_space<vmem>>) offsets(%dma_start3A_35 : memref<125xi32, #tpu.memory_space<vmem>>) semaphore(%arg12 : memref<!tpu.dma_semaphore, #tpu.memory_space<semaphore_mem>>)
      %dma_wait3A = arith.constant 0 : i32
      %dma_wait3A_39 = tpu.memref_slice %arg7[%mul3A_30, %dma_wait3A] : memref<40x125xi32, #tpu.memory_space<vmem>> -> memref<1x125xi32, #tpu.memory_space<vmem>>
      %dma_wait3A_40 = tpu.memref_squeeze %dma_wait3A_39 : memref<1x125xi32, #tpu.memory_space<vmem>> -> memref<125xi32, #tpu.memory_space<vmem>>
      %dma_wait3A_41 = arith.constant 0 : i32
      %dma_wait3A_42 = arith.constant 0 : i32
      %dma_wait3A_43 = tpu.memref_slice %arg2[%dma_wait3A_41, %dma_wait3A_42] : memref<10000x128xf32, #tpu.memory_space<hbm>> -> memref<10000x128xf32, #tpu.memory_space<hbm>>
      tpu.wait_indirect_dma semaphore(%arg11 : memref<!tpu.dma_semaphore, #tpu.memory_space<semaphore_mem>>) src(%dma_wait3A_43 : memref<10000x128xf32, #tpu.memory_space<hbm>>) dst(%arg9 : memref<125x128xf32, #tpu.memory_space<vmem>>)
      "tpu.region"() ({
        %run_scoped3A = tpu.sem_alloc : memref<!tpu.dma_semaphore, #tpu.memory_space<semaphore_mem>>
        %dma_start3A_58 = arith.constant 0 : i32
        %dma_start3A_59 = tpu.memref_slice %arg8[%mul3A_30, %dma_start3A_58] : memref<40x125xi32, #tpu.memory_space<vmem>> -> memref<1x125xi32, #tpu.memory_space<vmem>>
        %dma_start3A_60 = tpu.memref_squeeze %dma_start3A_59 : memref<1x125xi32, #tpu.memory_space<vmem>> -> memref<125xi32, #tpu.memory_space<vmem>>
        %dma_start3A_61 = arith.constant 0 : i32
        %dma_start3A_62 = arith.constant 0 : i32
        %dma_start3A_63 = tpu.memref_slice %arg13[%dma_start3A_61, %dma_start3A_62] : memref<10240x128xf32, #tpu.memory_space<vmem_shared>> -> memref<10240x128xf32, #tpu.memory_space<vmem_shared>>
        tpu.enqueue_indirect_dma source(%arg9 : memref<125x128xf32, #tpu.memory_space<vmem>>) target(%dma_start3A_63 : memref<10240x128xf32, #tpu.memory_space<vmem_shared>>) offsets(%dma_start3A_60 : memref<125xi32, #tpu.memory_space<vmem>>) semaphore(%run_scoped3A : memref<!tpu.dma_semaphore, #tpu.memory_space<semaphore_mem>>) {add = true}
        %dma_wait3A_64 = arith.constant 0 : i32
        %dma_wait3A_65 = tpu.memref_slice %arg8[%mul3A_30, %dma_wait3A_64] : memref<40x125xi32, #tpu.memory_space<vmem>> -> memref<1x125xi32, #tpu.memory_space<vmem>>
        %dma_wait3A_66 = tpu.memref_squeeze %dma_wait3A_65 : memref<1x125xi32, #tpu.memory_space<vmem>> -> memref<125xi32, #tpu.memory_space<vmem>>
        %dma_wait3A_67 = arith.constant 0 : i32
        %dma_wait3A_68 = arith.constant 0 : i32
        %dma_wait3A_69 = tpu.memref_slice %arg13[%dma_wait3A_67, %dma_wait3A_68] : memref<10240x128xf32, #tpu.memory_space<vmem_shared>> -> memref<10240x128xf32, #tpu.memory_space<vmem_shared>>
        tpu.wait_indirect_dma semaphore(%run_scoped3A : memref<!tpu.dma_semaphore, #tpu.memory_space<semaphore_mem>>) src(%arg9 : memref<125x128xf32, #tpu.memory_space<vmem>>) dst(%dma_wait3A_69 : memref<10240x128xf32, #tpu.memory_space<vmem_shared>>)
        tpu.yield
      }) : () -> ()
      %add3A_44 = arith.constant 2 : i32
      %add3A_45 = arith.addi %mul3A_30, %add3A_44 : i32
      %lt3A = arith.constant 40 : i32
      %lt3A_46 = arith.cmpi slt, %add3A_45, %lt3A : i32
      %convert_element_type3A = arith.extui %lt3A_46 : i1 to i32
      %cond3A = arith.constant 0 : i32
      %cond3A_47 = arith.cmpi ne, %convert_element_type3A, %cond3A : i32
      scf.if %cond3A_47 {
        %add3A_58 = arith.constant 2 : i32
        %add3A_59 = arith.addi %mul3A_30, %add3A_58 : i32
        %dma_start3A_60 = arith.constant 0 : i32
        %dma_start3A_61 = tpu.memref_slice %arg7[%add3A_59, %dma_start3A_60] : memref<40x125xi32, #tpu.memory_space<vmem>> -> memref<1x125xi32, #tpu.memory_space<vmem>>
        %dma_start3A_62 = tpu.memref_squeeze %dma_start3A_61 : memref<1x125xi32, #tpu.memory_space<vmem>> -> memref<125xi32, #tpu.memory_space<vmem>>
        %dma_start3A_63 = arith.constant 0 : i32
        %dma_start3A_64 = arith.constant 0 : i32
        %dma_start3A_65 = tpu.memref_slice %arg2[%dma_start3A_63, %dma_start3A_64] : memref<10000x128xf32, #tpu.memory_space<hbm>> -> memref<10000x128xf32, #tpu.memory_space<hbm>>
        tpu.enqueue_indirect_dma source(%dma_start3A_65 : memref<10000x128xf32, #tpu.memory_space<hbm>>) target(%arg9 : memref<125x128xf32, #tpu.memory_space<vmem>>) offsets(%dma_start3A_62 : memref<125xi32, #tpu.memory_space<vmem>>) semaphore(%arg11 : memref<!tpu.dma_semaphore, #tpu.memory_space<semaphore_mem>>)
      } else {
      }
      %add3A_48 = arith.constant 1 : i32
      %add3A_49 = arith.addi %mul3A_30, %add3A_48 : i32
      %dma_wait3A_50 = arith.constant 0 : i32
      %dma_wait3A_51 = tpu.memref_slice %arg7[%add3A_49, %dma_wait3A_50] : memref<40x125xi32, #tpu.memory_space<vmem>> -> memref<1x125xi32, #tpu.memory_space<vmem>>
      %dma_wait3A_52 = tpu.memref_squeeze %dma_wait3A_51 : memref<1x125xi32, #tpu.memory_space<vmem>> -> memref<125xi32, #tpu.memory_space<vmem>>
      %dma_wait3A_53 = arith.constant 0 : i32
      %dma_wait3A_54 = arith.constant 0 : i32
      %dma_wait3A_55 = tpu.memref_slice %arg2[%dma_wait3A_53, %dma_wait3A_54] : memref<10000x128xf32, #tpu.memory_space<hbm>> -> memref<10000x128xf32, #tpu.memory_space<hbm>>
      tpu.wait_indirect_dma semaphore(%arg12 : memref<!tpu.dma_semaphore, #tpu.memory_space<semaphore_mem>>) src(%dma_wait3A_55 : memref<10000x128xf32, #tpu.memory_space<hbm>>) dst(%arg10 : memref<125x128xf32, #tpu.memory_space<vmem>>)
      %add3A_56 = arith.constant 1 : i32
      %add3A_57 = arith.addi %mul3A_30, %add3A_56 : i32
      "tpu.region"() ({
        %run_scoped3A = tpu.sem_alloc : memref<!tpu.dma_semaphore, #tpu.memory_space<semaphore_mem>>
        %dma_start3A_58 = arith.constant 0 : i32
        %dma_start3A_59 = tpu.memref_slice %arg8[%add3A_57, %dma_start3A_58] : memref<40x125xi32, #tpu.memory_space<vmem>> -> memref<1x125xi32, #tpu.memory_space<vmem>>
        %dma_start3A_60 = tpu.memref_squeeze %dma_start3A_59 : memref<1x125xi32, #tpu.memory_space<vmem>> -> memref<125xi32, #tpu.memory_space<vmem>>
        %dma_start3A_61 = arith.constant 0 : i32
        %dma_start3A_62 = arith.constant 0 : i32
        %dma_start3A_63 = tpu.memref_slice %arg13[%dma_start3A_61, %dma_start3A_62] : memref<10240x128xf32, #tpu.memory_space<vmem_shared>> -> memref<10240x128xf32, #tpu.memory_space<vmem_shared>>
        tpu.enqueue_indirect_dma source(%arg10 : memref<125x128xf32, #tpu.memory_space<vmem>>) target(%dma_start3A_63 : memref<10240x128xf32, #tpu.memory_space<vmem_shared>>) offsets(%dma_start3A_60 : memref<125xi32, #tpu.memory_space<vmem>>) semaphore(%run_scoped3A : memref<!tpu.dma_semaphore, #tpu.memory_space<semaphore_mem>>) {add = true}
        %dma_wait3A_64 = arith.constant 0 : i32
        %dma_wait3A_65 = tpu.memref_slice %arg8[%add3A_57, %dma_wait3A_64] : memref<40x125xi32, #tpu.memory_space<vmem>> -> memref<1x125xi32, #tpu.memory_space<vmem>>
        %dma_wait3A_66 = tpu.memref_squeeze %dma_wait3A_65 : memref<1x125xi32, #tpu.memory_space<vmem>> -> memref<125xi32, #tpu.memory_space<vmem>>
        %dma_wait3A_67 = arith.constant 0 : i32
        %dma_wait3A_68 = arith.constant 0 : i32
        %dma_wait3A_69 = tpu.memref_slice %arg13[%dma_wait3A_67, %dma_wait3A_68] : memref<10240x128xf32, #tpu.memory_space<vmem_shared>> -> memref<10240x128xf32, #tpu.memory_space<vmem_shared>>
        tpu.wait_indirect_dma semaphore(%run_scoped3A : memref<!tpu.dma_semaphore, #tpu.memory_space<semaphore_mem>>) src(%arg10 : memref<125x128xf32, #tpu.memory_space<vmem>>) dst(%dma_wait3A_69 : memref<10240x128xf32, #tpu.memory_space<vmem_shared>>)
        tpu.yield
      }) : () -> ()
    }
    %scan3A_26 = arith.constant 20 : i32
    %barrier3A_27 = arith.constant 0 : index
    tpu.barrier barrier_id(%barrier3A_27)
    "tpu.region"() ({
      %run_scoped3A = tpu.sem_alloc : memref<!tpu.dma_semaphore, #tpu.memory_space<semaphore_mem>>
      %dma_start3A_28 = arith.constant 0 : i32
      %dma_start3A_29 = tpu.memref_slice %arg6[%arg0, %mul3A_2, %dma_start3A_28] : memref<2x10240x128xf32, #tpu.memory_space<hbm>> -> memref<1x640x128xf32, #tpu.memory_space<hbm>>
      %dma_start3A_30 = tpu.memref_squeeze %dma_start3A_29 : memref<1x640x128xf32, #tpu.memory_space<hbm>> -> memref<640x128xf32, #tpu.memory_space<hbm>>
      %dma_start3A_31 = arith.constant 0 : i32
      %dma_start3A_32 = tpu.memref_slice %arg13[%mul3A_2, %dma_start3A_31] : memref<10240x128xf32, #tpu.memory_space<vmem_shared>> -> memref<640x128xf32, #tpu.memory_space<vmem_shared>>
      tpu.enqueue_dma source(%dma_start3A_32 : memref<640x128xf32, #tpu.memory_space<vmem_shared>>) target(%dma_start3A_30 : memref<640x128xf32, #tpu.memory_space<hbm>>) target_semaphore(%run_scoped3A : memref<!tpu.dma_semaphore, #tpu.memory_space<semaphore_mem>>)
      %dma_wait3A = arith.constant 0 : i32
      %dma_wait3A_33 = tpu.memref_slice %arg6[%arg0, %mul3A_2, %dma_wait3A] : memref<2x10240x128xf32, #tpu.memory_space<hbm>> -> memref<1x640x128xf32, #tpu.memory_space<hbm>>
      %dma_wait3A_34 = tpu.memref_squeeze %dma_wait3A_33 : memref<1x640x128xf32, #tpu.memory_space<hbm>> -> memref<640x128xf32, #tpu.memory_space<hbm>>
      %dma_wait3A_35 = arith.constant 0 : i32
      %dma_wait3A_36 = tpu.memref_slice %arg13[%mul3A_2, %dma_wait3A_35] : memref<10240x128xf32, #tpu.memory_space<vmem_shared>> -> memref<640x128xf32, #tpu.memory_space<vmem_shared>>
      tpu.wait_dma2 semaphore(%run_scoped3A : memref<!tpu.dma_semaphore, #tpu.memory_space<semaphore_mem>>) src(%dma_wait3A_36 : memref<640x128xf32, #tpu.memory_space<vmem_shared>>) dst(%dma_wait3A_34 : memref<640x128xf32, #tpu.memory_space<hbm>>)
      tpu.yield
    }) : () -> ()
    return
  }
}

module attributes {stable_mosaic.version = 14 : i64} {
  func.func @_k2_body(%arg0: i32, %arg1: memref<2000x128xf32, #tpu.memory_space<vmem>>, %arg2: memref<2x2000x128xf32, #tpu.memory_space<vmem>>, %arg3: memref<2000x128xf32, #tpu.memory_space<vmem>>, %arg4: memref<128x128xf32, #tpu.memory_space<vmem>>, %arg5: memref<2000x128xf32, #tpu.memory_space<vmem>>) attributes {dimension_semantics = [#tpu.dimension_semantics<arbitrary>], iteration_bounds = array<i64: 5>, scalar_prefetch = 0 : i64, scratch_operands = 0 : i64, tpu.core_type = #tpu.core_type<tc>, window_params = [{transform_indices = @transform_0, window_bounds = array<i64: 2000, 128>}, {transform_indices = @transform_1, window_bounds = array<i64: 2, 2000, 128>}, {transform_indices = @transform_2, window_bounds = array<i64: 2000, 128>}, {pipeline_mode = #tpu.pipeline_mode<synchronous>, transform_indices = @transform_3, window_bounds = array<i64: 128, 128>}, {transform_indices = @transform_4, window_bounds = array<i64: 2000, 128>}]} {
    %get3A = arith.constant 0 : index
    %get3A_0 = arith.constant 0 : index
    %get3A_1 = vector.load %arg3[%get3A, %get3A_0] : memref<2000x128xf32, #tpu.memory_space<vmem>>, vector<2000x128xf32>
    %get3A_2 = arith.constant 0 : index
    %get3A_3 = arith.constant 0 : index
    %get3A_4 = vector.load %arg1[%get3A_2, %get3A_3] : memref<2000x128xf32, #tpu.memory_space<vmem>>, vector<2000x128xf32>
    %div3A = arith.constant 1.000000e+00 : f32
    %div3A_5 = vector.broadcast %div3A : f32 to vector<2000x128xf32>
    %div3A_6 = arith.divf %div3A_5, %get3A_1 : vector<2000x128xf32>
    %mul3A = arith.mulf %get3A_4, %div3A_6 : vector<2000x128xf32>
    %get3A_7 = arith.constant 0 : index
    %get3A_8 = arith.constant 0 : index
    %get3A_9 = arith.constant 0 : index
    %get3A_10 = vector.load %arg2[%get3A_7, %get3A_8, %get3A_9] : memref<2x2000x128xf32, #tpu.memory_space<vmem>>, vector<1x2000x128xf32>
    %get3A_11 = vector.shape_cast %get3A_10 : vector<1x2000x128xf32> to vector<2000x128xf32>
    %get3A_12 = arith.constant 1 : index
    %get3A_13 = arith.constant 0 : index
    %get3A_14 = arith.constant 0 : index
    %get3A_15 = vector.load %arg2[%get3A_12, %get3A_13, %get3A_14] : memref<2x2000x128xf32, #tpu.memory_space<vmem>>, vector<1x2000x128xf32>
    %get3A_16 = vector.shape_cast %get3A_15 : vector<1x2000x128xf32> to vector<2000x128xf32>
    %add3A = arith.addf %get3A_11, %get3A_16 : vector<2000x128xf32>
    %mul3A_17 = arith.mulf %get3A_1, %add3A : vector<2000x128xf32>
    %add3A_18 = arith.addf %mul3A, %mul3A_17 : vector<2000x128xf32>
    %get3A_19 = arith.constant 0 : index
    %get3A_20 = arith.constant 0 : index
    %get3A_21 = vector.load %arg4[%get3A_19, %get3A_20] : memref<128x128xf32, #tpu.memory_space<vmem>>, vector<128x128xf32>
    %dot_general3A = arith.constant dense<0.000000e+00> : vector<2000x128xf32>
    %dot_general3A_22 = tpu.matmul %add3A_18, %get3A_21, %dot_general3A {dimension_numbers = #tpu.dot_dimension_numbers<[1], [0], [0], [1], [0, 0, 1, 1], [], []>, transpose_lhs_hint = false} : vector<2000x128xf32>, vector<128x128xf32>, vector<2000x128xf32> -> vector<2000x128xf32>
    %mul3A_23 = arith.mulf %dot_general3A_22, %get3A_1 : vector<2000x128xf32>
    %swap3A = arith.constant 0 : index
    %swap3A_24 = arith.constant 0 : index
    %swap3A_25 = vector.load %arg5[%swap3A, %swap3A_24] : memref<2000x128xf32, #tpu.memory_space<vmem>>, vector<2000x128xf32>
    tpu.vector_store %arg5[%swap3A, %swap3A_24], %mul3A_23 {strides = array<i32>} : memref<2000x128xf32, #tpu.memory_space<vmem>>, vector<2000x128xf32>,
    return
  }
  func.func @transform_0(%arg0: i32) -> (i32, i32) {
    %c0_i32 = arith.constant 0 : i32
    %c0_i32_0 = arith.constant 0 : i32
    return %arg0, %c0_i32 : i32, i32
  }
  func.func @transform_1(%arg0: i32) -> (i32, i32, i32) {
    %c0_i32 = arith.constant 0 : i32
    %c0_i32_0 = arith.constant 0 : i32
    %c0_i32_1 = arith.constant 0 : i32
    return %c0_i32, %arg0, %c0_i32_0 : i32, i32, i32
  }
  func.func @transform_2(%arg0: i32) -> (i32, i32) {
    %c0_i32 = arith.constant 0 : i32
    %c0_i32_0 = arith.constant 0 : i32
    return %arg0, %c0_i32 : i32, i32
  }
  func.func @transform_3(%arg0: i32) -> (i32, i32) {
    %c0_i32 = arith.constant 0 : i32
    %c0_i32_0 = arith.constant 0 : i32
    %c0_i32_1 = arith.constant 0 : i32
    return %c0_i32, %c0_i32_0 : i32, i32
  }
  func.func @transform_4(%arg0: i32) -> (i32, i32) {
    %c0_i32 = arith.constant 0 : i32
    %c0_i32_0 = arith.constant 0 : i32
    return %arg0, %c0_i32 : i32, i32
  }
}

module attributes {stable_mosaic.version = 14 : i64} {
  func.func @_k1_body(%arg0: i32, %arg1: memref<2000x128xf32, #tpu.memory_space<vmem>>, %arg2: memref<128x128xf32, #tpu.memory_space<vmem>>, %arg3: memref<2x2000x128xf32, #tpu.memory_space<vmem>>, %arg4: memref<2000x128xf32, #tpu.memory_space<vmem>>, %arg5: memref<2000x128xf32, #tpu.memory_space<vmem>>) attributes {dimension_semantics = [#tpu.dimension_semantics<arbitrary>], iteration_bounds = array<i64: 5>, scalar_prefetch = 0 : i64, scratch_operands = 0 : i64, tpu.core_type = #tpu.core_type<tc>, window_params = [{transform_indices = @transform_0, window_bounds = array<i64: 2000, 128>}, {pipeline_mode = #tpu.pipeline_mode<synchronous>, transform_indices = @transform_1, window_bounds = array<i64: 128, 128>}, {transform_indices = @transform_2, window_bounds = array<i64: 2, 2000, 128>}, {transform_indices = @transform_3, window_bounds = array<i64: 2000, 128>}, {transform_indices = @transform_4, window_bounds = array<i64: 2000, 128>}]} {
    %get3A = arith.constant 0 : index
    %get3A_0 = arith.constant 0 : index
    %get3A_1 = arith.constant 0 : index
    %get3A_2 = vector.load %arg3[%get3A, %get3A_0, %get3A_1] : memref<2x2000x128xf32, #tpu.memory_space<vmem>>, vector<1x2000x1xf32>
    %get3A_3 = vector.shape_cast %get3A_2 : vector<1x2000x1xf32> to vector<2000x1xf32>
    %get3A_4 = arith.constant 1 : index
    %get3A_5 = arith.constant 0 : index
    %get3A_6 = arith.constant 0 : index
    %get3A_7 = vector.load %arg3[%get3A_4, %get3A_5, %get3A_6] : memref<2x2000x128xf32, #tpu.memory_space<vmem>>, vector<1x2000x1xf32>
    %get3A_8 = vector.shape_cast %get3A_7 : vector<1x2000x1xf32> to vector<2000x1xf32>
    %add3A = arith.addf %get3A_3, %get3A_8 : vector<2000x1xf32>
    %max3A = arith.constant 1.000000e+00 : f32
    %max3A_9 = vector.broadcast %max3A : f32 to vector<2000x1xf32>
    %max3A_10 = arith.maximumf %add3A, %max3A_9 : vector<2000x1xf32>
    %rsqrt3A = math.rsqrt %max3A_10 : vector<2000x1xf32>
    %get3A_11 = arith.constant 0 : index
    %get3A_12 = arith.constant 0 : index
    %get3A_13 = vector.load %arg1[%get3A_11, %get3A_12] : memref<2000x128xf32, #tpu.memory_space<vmem>>, vector<2000x128xf32>
    %get3A_14 = arith.constant 0 : index
    %get3A_15 = arith.constant 0 : index
    %get3A_16 = vector.load %arg2[%get3A_14, %get3A_15] : memref<128x128xf32, #tpu.memory_space<vmem>>, vector<128x128xf32>
    %dot_general3A = arith.constant dense<0.000000e+00> : vector<2000x128xf32>
    %dot_general3A_17 = tpu.matmul %get3A_13, %get3A_16, %dot_general3A {dimension_numbers = #tpu.dot_dimension_numbers<[1], [0], [0], [1], [0, 0, 1, 1], [], []>, transpose_lhs_hint = false} : vector<2000x128xf32>, vector<128x128xf32>, vector<2000x128xf32> -> vector<2000x128xf32>
    %mul3A = vector.broadcast %rsqrt3A : vector<2000x1xf32> to vector<2000x128xf32>
    %mul3A_18 = arith.mulf %dot_general3A_17, %mul3A : vector<2000x128xf32>
    %swap3A = arith.constant 0 : index
    %swap3A_19 = arith.constant 0 : index
    %swap3A_20 = vector.load %arg4[%swap3A, %swap3A_19] : memref<2000x128xf32, #tpu.memory_space<vmem>>, vector<2000x128xf32>
    tpu.vector_store %arg4[%swap3A, %swap3A_19], %mul3A_18 {strides = array<i32>} : memref<2000x128xf32, #tpu.memory_space<vmem>>, vector<2000x128xf32>,
    %broadcast_in_dim3A = vector.shape_cast %rsqrt3A : vector<2000x1xf32> to vector<2000x1xf32>
    %broadcast_in_dim3A_21 = vector.broadcast %broadcast_in_dim3A : vector<2000x1xf32> to vector<2000x128xf32>
    %swap3A_22 = arith.constant 0 : index
    %swap3A_23 = arith.constant 0 : index
    %swap3A_24 = vector.load %arg5[%swap3A_22, %swap3A_23] : memref<2000x128xf32, #tpu.memory_space<vmem>>, vector<2000x128xf32>
    tpu.vector_store %arg5[%swap3A_22, %swap3A_23], %broadcast_in_dim3A_21 {strides = array<i32>} : memref<2000x128xf32, #tpu.memory_space<vmem>>, vector<2000x128xf32>,
    return
  }
  func.func @transform_0(%arg0: i32) -> (i32, i32) {
    %c0_i32 = arith.constant 0 : i32
    %c0_i32_0 = arith.constant 0 : i32
    return %arg0, %c0_i32 : i32, i32
  }
  func.func @transform_1(%arg0: i32) -> (i32, i32) {
    %c0_i32 = arith.constant 0 : i32
    %c0_i32_0 = arith.constant 0 : i32
    %c0_i32_1 = arith.constant 0 : i32
    return %c0_i32, %c0_i32_0 : i32, i32
  }
  func.func @transform_2(%arg0: i32) -> (i32, i32, i32) {
    %c0_i32 = arith.constant 0 : i32
    %c0_i32_0 = arith.constant 0 : i32
    %c0_i32_1 = arith.constant 0 : i32
    return %c0_i32, %arg0, %c0_i32_0 : i32, i32, i32
  }
  func.func @transform_3(%arg0: i32) -> (i32, i32) {
    %c0_i32 = arith.constant 0 : i32
    %c0_i32_0 = arith.constant 0 : i32
    return %arg0, %c0_i32 : i32, i32
  }
  func.func @transform_4(%arg0: i32) -> (i32, i32) {
    %c0_i32 = arith.constant 0 : i32
    %c0_i32_0 = arith.constant 0 : i32
    return %arg0, %c0_i32 : i32, i32
  }
}

module attributes {stable_mosaic.version = 14 : i64} {
  func.func @_k3_body(%arg0: i32, %arg1: memref<2000x128xf32, #tpu.memory_space<vmem>>, %arg2: memref<2x2000x128xf32, #tpu.memory_space<vmem>>, %arg3: memref<2000x128xf32, #tpu.memory_space<vmem>>, %arg4: memref<128x256xf32, #tpu.memory_space<vmem>>, %arg5: memref<1x256xf32, #tpu.memory_space<vmem>>, %arg6: memref<2000x256xf32, #tpu.memory_space<vmem>>, %arg7: memref<1x256xf32, #tpu.memory_space<vmem>>, %arg8: memref<1x256xf32, #tpu.memory_space<vmem>>) attributes {dimension_semantics = [#tpu.dimension_semantics<arbitrary>], iteration_bounds = array<i64: 5>, scalar_prefetch = 0 : i64, scratch_operands = 0 : i64, tpu.core_type = #tpu.core_type<tc>, window_params = [{transform_indices = @transform_0, window_bounds = array<i64: 2000, 128>}, {transform_indices = @transform_1, window_bounds = array<i64: 2, 2000, 128>}, {transform_indices = @transform_2, window_bounds = array<i64: 2000, 128>}, {pipeline_mode = #tpu.pipeline_mode<synchronous>, transform_indices = @transform_3, window_bounds = array<i64: 128, 256>}, {pipeline_mode = #tpu.pipeline_mode<synchronous>, transform_indices = @transform_4, window_bounds = array<i64: 1, 256>}, {transform_indices = @transform_5, window_bounds = array<i64: 2000, 256>}, {pipeline_mode = #tpu.pipeline_mode<synchronous>, transform_indices = @transform_6, window_bounds = array<i64: 1, 256>}, {pipeline_mode = #tpu.pipeline_mode<synchronous>, transform_indices = @transform_7, window_bounds = array<i64: 1, 256>}]} {
    %get3A = arith.constant 0 : index
    %get3A_0 = arith.constant 0 : index
    %get3A_1 = vector.load %arg3[%get3A, %get3A_0] : memref<2000x128xf32, #tpu.memory_space<vmem>>, vector<2000x128xf32>
    %get3A_2 = arith.constant 0 : index
    %get3A_3 = arith.constant 0 : index
    %get3A_4 = vector.load %arg1[%get3A_2, %get3A_3] : memref<2000x128xf32, #tpu.memory_space<vmem>>, vector<2000x128xf32>
    %div3A = arith.constant 1.000000e+00 : f32
    %div3A_5 = vector.broadcast %div3A : f32 to vector<2000x128xf32>
    %div3A_6 = arith.divf %div3A_5, %get3A_1 : vector<2000x128xf32>
    %mul3A = arith.mulf %get3A_4, %div3A_6 : vector<2000x128xf32>
    %get3A_7 = arith.constant 0 : index
    %get3A_8 = arith.constant 0 : index
    %get3A_9 = arith.constant 0 : index
    %get3A_10 = vector.load %arg2[%get3A_7, %get3A_8, %get3A_9] : memref<2x2000x128xf32, #tpu.memory_space<vmem>>, vector<1x2000x128xf32>
    %get3A_11 = vector.shape_cast %get3A_10 : vector<1x2000x128xf32> to vector<2000x128xf32>
    %get3A_12 = arith.constant 1 : index
    %get3A_13 = arith.constant 0 : index
    %get3A_14 = arith.constant 0 : index
    %get3A_15 = vector.load %arg2[%get3A_12, %get3A_13, %get3A_14] : memref<2x2000x128xf32, #tpu.memory_space<vmem>>, vector<1x2000x128xf32>
    %get3A_16 = vector.shape_cast %get3A_15 : vector<1x2000x128xf32> to vector<2000x128xf32>
    %add3A = arith.addf %get3A_11, %get3A_16 : vector<2000x128xf32>
    %mul3A_17 = arith.mulf %get3A_1, %add3A : vector<2000x128xf32>
    %add3A_18 = arith.addf %mul3A, %mul3A_17 : vector<2000x128xf32>
    %get3A_19 = arith.constant 0 : index
    %get3A_20 = arith.constant 0 : index
    %get3A_21 = vector.load %arg4[%get3A_19, %get3A_20] : memref<128x256xf32, #tpu.memory_space<vmem>>, vector<128x256xf32>
    %dot_general3A = arith.constant dense<0.000000e+00> : vector<2000x256xf32>
    %dot_general3A_22 = tpu.matmul %add3A_18, %get3A_21, %dot_general3A {dimension_numbers = #tpu.dot_dimension_numbers<[1], [0], [0], [1], [0, 0, 1, 1], [], []>, transpose_lhs_hint = false} : vector<2000x128xf32>, vector<128x256xf32>, vector<2000x256xf32> -> vector<2000x256xf32>
    %get3A_23 = arith.constant 0 : index
    %get3A_24 = arith.constant 0 : index
    %get3A_25 = vector.load %arg5[%get3A_23, %get3A_24] : memref<1x256xf32, #tpu.memory_space<vmem>>, vector<1x256xf32>
    %add3A_26 = vector.broadcast %get3A_25 : vector<1x256xf32> to vector<2000x256xf32>
    %add3A_27 = arith.addf %dot_general3A_22, %add3A_26 : vector<2000x256xf32>
    %swap3A = arith.constant 0 : index
    %swap3A_28 = arith.constant 0 : index
    %swap3A_29 = vector.load %arg6[%swap3A, %swap3A_28] : memref<2000x256xf32, #tpu.memory_space<vmem>>, vector<2000x256xf32>
    tpu.vector_store %arg6[%swap3A, %swap3A_28], %add3A_27 {strides = array<i32>} : memref<2000x256xf32, #tpu.memory_space<vmem>>, vector<2000x256xf32>,
    %eq3A = arith.constant 0 : i32
    %eq3A_30 = arith.cmpi eq, %arg0, %eq3A : i32
    %convert_element_type3A = arith.extui %eq3A_30 : i1 to i32
    %cond3A = arith.constant 0 : i32
    %cond3A_31 = arith.cmpi ne, %convert_element_type3A, %cond3A : i32
    scf.if %cond3A_31 {
      %broadcast_in_dim3A_51 = arith.constant 0.000000e+00 : f32
      %broadcast_in_dim3A_52 = vector.broadcast %broadcast_in_dim3A_51 : f32 to vector<1x256xf32>
      %swap3A_53 = arith.constant 0 : index
      %swap3A_54 = arith.constant 0 : index
      %swap3A_55 = vector.load %arg7[%swap3A_53, %swap3A_54] : memref<1x256xf32, #tpu.memory_space<vmem>>, vector<1x256xf32>
      tpu.vector_store %arg7[%swap3A_53, %swap3A_54], %broadcast_in_dim3A_52 {strides = array<i32>} : memref<1x256xf32, #tpu.memory_space<vmem>>, vector<1x256xf32>,
      %broadcast_in_dim3A_56 = arith.constant 0.000000e+00 : f32
      %broadcast_in_dim3A_57 = vector.broadcast %broadcast_in_dim3A_56 : f32 to vector<1x256xf32>
      %swap3A_58 = arith.constant 0 : index
      %swap3A_59 = arith.constant 0 : index
      %swap3A_60 = vector.load %arg8[%swap3A_58, %swap3A_59] : memref<1x256xf32, #tpu.memory_space<vmem>>, vector<1x256xf32>
      tpu.vector_store %arg8[%swap3A_58, %swap3A_59], %broadcast_in_dim3A_57 {strides = array<i32>} : memref<1x256xf32, #tpu.memory_space<vmem>>, vector<1x256xf32>,
    } else {
    }
    %get3A_32 = arith.constant 0 : index
    %get3A_33 = arith.constant 0 : index
    %get3A_34 = vector.load %arg7[%get3A_32, %get3A_33] : memref<1x256xf32, #tpu.memory_space<vmem>>, vector<1x256xf32>
    %reduce_sum3A = arith.constant dense<0.000000e+00> : vector<256xf32>
    %reduce_sum3A_35 = vector.multi_reduction <add>, %add3A_27, %reduce_sum3A [0] : vector<2000x256xf32> to vector<256xf32>
    %broadcast_in_dim3A = vector.shape_cast %reduce_sum3A_35 : vector<256xf32> to vector<1x256xf32>
    %add3A_36 = arith.addf %get3A_34, %broadcast_in_dim3A : vector<1x256xf32>
    %swap3A_37 = arith.constant 0 : index
    %swap3A_38 = arith.constant 0 : index
    %swap3A_39 = vector.load %arg7[%swap3A_37, %swap3A_38] : memref<1x256xf32, #tpu.memory_space<vmem>>, vector<1x256xf32>
    tpu.vector_store %arg7[%swap3A_37, %swap3A_38], %add3A_36 {strides = array<i32>} : memref<1x256xf32, #tpu.memory_space<vmem>>, vector<1x256xf32>,
    %get3A_40 = arith.constant 0 : index
    %get3A_41 = arith.constant 0 : index
    %get3A_42 = vector.load %arg8[%get3A_40, %get3A_41] : memref<1x256xf32, #tpu.memory_space<vmem>>, vector<1x256xf32>
    %mul3A_43 = arith.mulf %add3A_27, %add3A_27 : vector<2000x256xf32>
    %reduce_sum3A_44 = arith.constant dense<0.000000e+00> : vector<256xf32>
    %reduce_sum3A_45 = vector.multi_reduction <add>, %mul3A_43, %reduce_sum3A_44 [0] : vector<2000x256xf32> to vector<256xf32>
    %broadcast_in_dim3A_46 = vector.shape_cast %reduce_sum3A_45 : vector<256xf32> to vector<1x256xf32>
    %add3A_47 = arith.addf %get3A_42, %broadcast_in_dim3A_46 : vector<1x256xf32>
    %swap3A_48 = arith.constant 0 : index
    %swap3A_49 = arith.constant 0 : index
    %swap3A_50 = vector.load %arg8[%swap3A_48, %swap3A_49] : memref<1x256xf32, #tpu.memory_space<vmem>>, vector<1x256xf32>
    tpu.vector_store %arg8[%swap3A_48, %swap3A_49], %add3A_47 {strides = array<i32>} : memref<1x256xf32, #tpu.memory_space<vmem>>, vector<1x256xf32>,
    return
  }
  func.func @transform_0(%arg0: i32) -> (i32, i32) {
    %c0_i32 = arith.constant 0 : i32
    %c0_i32_0 = arith.constant 0 : i32
    return %arg0, %c0_i32 : i32, i32
  }
  func.func @transform_1(%arg0: i32) -> (i32, i32, i32) {
    %c0_i32 = arith.constant 0 : i32
    %c0_i32_0 = arith.constant 0 : i32
    %c0_i32_1 = arith.constant 0 : i32
    return %c0_i32, %arg0, %c0_i32_0 : i32, i32, i32
  }
  func.func @transform_2(%arg0: i32) -> (i32, i32) {
    %c0_i32 = arith.constant 0 : i32
    %c0_i32_0 = arith.constant 0 : i32
    return %arg0, %c0_i32 : i32, i32
  }
  func.func @transform_3(%arg0: i32) -> (i32, i32) {
    %c0_i32 = arith.constant 0 : i32
    %c0_i32_0 = arith.constant 0 : i32
    %c0_i32_1 = arith.constant 0 : i32
    return %c0_i32, %c0_i32_0 : i32, i32
  }
  func.func @transform_4(%arg0: i32) -> (i32, i32) {
    %c0_i32 = arith.constant 0 : i32
    %c0_i32_0 = arith.constant 0 : i32
    %c0_i32_1 = arith.constant 0 : i32
    return %c0_i32, %c0_i32_0 : i32, i32
  }
  func.func @transform_5(%arg0: i32) -> (i32, i32) {
    %c0_i32 = arith.constant 0 : i32
    %c0_i32_0 = arith.constant 0 : i32
    return %arg0, %c0_i32 : i32, i32
  }
  func.func @transform_6(%arg0: i32) -> (i32, i32) {
    %c0_i32 = arith.constant 0 : i32
    %c0_i32_0 = arith.constant 0 : i32
    %c0_i32_1 = arith.constant 0 : i32
    return %c0_i32, %c0_i32_0 : i32, i32
  }
  func.func @transform_7(%arg0: i32) -> (i32, i32) {
    %c0_i32 = arith.constant 0 : i32
    %c0_i32_0 = arith.constant 0 : i32
    %c0_i32_1 = arith.constant 0 : i32
    return %c0_i32, %c0_i32_0 : i32, i32
  }
}

module attributes {stable_mosaic.version = 14 : i64} {
  func.func @_kf_body(%arg0: i32, %arg1: memref<2000x256xf32, #tpu.memory_space<vmem>>, %arg2: memref<1x256xf32, #tpu.memory_space<vmem>>, %arg3: memref<1x256xf32, #tpu.memory_space<vmem>>, %arg4: memref<1x256xf32, #tpu.memory_space<vmem>>, %arg5: memref<1x256xf32, #tpu.memory_space<vmem>>, %arg6: memref<256x128xf32, #tpu.memory_space<vmem>>, %arg7: memref<1x128xf32, #tpu.memory_space<vmem>>, %arg8: memref<2000x128xf32, #tpu.memory_space<vmem>>) attributes {dimension_semantics = [#tpu.dimension_semantics<arbitrary>], iteration_bounds = array<i64: 5>, scalar_prefetch = 0 : i64, scratch_operands = 0 : i64, tpu.core_type = #tpu.core_type<tc>, window_params = [{transform_indices = @transform_0, window_bounds = array<i64: 2000, 256>}, {pipeline_mode = #tpu.pipeline_mode<synchronous>, transform_indices = @transform_1, window_bounds = array<i64: 1, 256>}, {pipeline_mode = #tpu.pipeline_mode<synchronous>, transform_indices = @transform_2, window_bounds = array<i64: 1, 256>}, {pipeline_mode = #tpu.pipeline_mode<synchronous>, transform_indices = @transform_3, window_bounds = array<i64: 1, 256>}, {pipeline_mode = #tpu.pipeline_mode<synchronous>, transform_indices = @transform_4, window_bounds = array<i64: 1, 256>}, {pipeline_mode = #tpu.pipeline_mode<synchronous>, transform_indices = @transform_5, window_bounds = array<i64: 256, 128>}, {pipeline_mode = #tpu.pipeline_mode<synchronous>, transform_indices = @transform_6, window_bounds = array<i64: 1, 128>}, {transform_indices = @transform_7, window_bounds = array<i64: 2000, 128>}]} {
    %get3A = arith.constant 0 : index
    %get3A_0 = arith.constant 0 : index
    %get3A_1 = vector.load %arg2[%get3A, %get3A_0] : memref<1x256xf32, #tpu.memory_space<vmem>>, vector<1x256xf32>
    %mul3A = arith.constant 9.99999974E-5 : f32
    %mul3A_2 = vector.broadcast %mul3A : f32 to vector<1x256xf32>
    %mul3A_3 = arith.mulf %get3A_1, %mul3A_2 : vector<1x256xf32>
    %get3A_4 = arith.constant 0 : index
    %get3A_5 = arith.constant 0 : index
    %get3A_6 = vector.load %arg3[%get3A_4, %get3A_5] : memref<1x256xf32, #tpu.memory_space<vmem>>, vector<1x256xf32>
    %mul3A_7 = arith.constant 9.99999974E-5 : f32
    %mul3A_8 = vector.broadcast %mul3A_7 : f32 to vector<1x256xf32>
    %mul3A_9 = arith.mulf %get3A_6, %mul3A_8 : vector<1x256xf32>
    %mul3A_10 = arith.mulf %mul3A_3, %mul3A_3 : vector<1x256xf32>
    %sub3A = arith.subf %mul3A_9, %mul3A_10 : vector<1x256xf32>
    %get3A_11 = arith.constant 0 : index
    %get3A_12 = arith.constant 0 : index
    %get3A_13 = vector.load %arg1[%get3A_11, %get3A_12] : memref<2000x256xf32, #tpu.memory_space<vmem>>, vector<2000x256xf32>
    %sub3A_14 = vector.broadcast %mul3A_3 : vector<1x256xf32> to vector<2000x256xf32>
    %sub3A_15 = arith.subf %get3A_13, %sub3A_14 : vector<2000x256xf32>
    %add3A = arith.constant 9.99999974E-6 : f32
    %add3A_16 = vector.broadcast %add3A : f32 to vector<1x256xf32>
    %add3A_17 = arith.addf %sub3A, %add3A_16 : vector<1x256xf32>
    %rsqrt3A = math.rsqrt %add3A_17 : vector<1x256xf32>
    %mul3A_18 = vector.broadcast %rsqrt3A : vector<1x256xf32> to vector<2000x256xf32>
    %mul3A_19 = arith.mulf %sub3A_15, %mul3A_18 : vector<2000x256xf32>
    %get3A_20 = arith.constant 0 : index
    %get3A_21 = arith.constant 0 : index
    %get3A_22 = vector.load %arg4[%get3A_20, %get3A_21] : memref<1x256xf32, #tpu.memory_space<vmem>>, vector<1x256xf32>
    %mul3A_23 = vector.broadcast %get3A_22 : vector<1x256xf32> to vector<2000x256xf32>
    %mul3A_24 = arith.mulf %mul3A_19, %mul3A_23 : vector<2000x256xf32>
    %get3A_25 = arith.constant 0 : index
    %get3A_26 = arith.constant 0 : index
    %get3A_27 = vector.load %arg5[%get3A_25, %get3A_26] : memref<1x256xf32, #tpu.memory_space<vmem>>, vector<1x256xf32>
    %add3A_28 = vector.broadcast %get3A_27 : vector<1x256xf32> to vector<2000x256xf32>
    %add3A_29 = arith.addf %mul3A_24, %add3A_28 : vector<2000x256xf32>
    %max3A = arith.constant 0.000000e+00 : f32
    %max3A_30 = vector.broadcast %max3A : f32 to vector<2000x256xf32>
    %max3A_31 = arith.maximumf %add3A_29, %max3A_30 : vector<2000x256xf32>
    %get3A_32 = arith.constant 0 : index
    %get3A_33 = arith.constant 0 : index
    %get3A_34 = vector.load %arg6[%get3A_32, %get3A_33] : memref<256x128xf32, #tpu.memory_space<vmem>>, vector<256x128xf32>
    %dot_general3A = arith.constant dense<0.000000e+00> : vector<2000x128xf32>
    %dot_general3A_35 = tpu.matmul %max3A_31, %get3A_34, %dot_general3A {dimension_numbers = #tpu.dot_dimension_numbers<[1], [0], [0], [1], [0, 0, 1, 1], [], []>, transpose_lhs_hint = false} : vector<2000x256xf32>, vector<256x128xf32>, vector<2000x128xf32> -> vector<2000x128xf32>
    %get3A_36 = arith.constant 0 : index
    %get3A_37 = arith.constant 0 : index
    %get3A_38 = vector.load %arg7[%get3A_36, %get3A_37] : memref<1x128xf32, #tpu.memory_space<vmem>>, vector<1x128xf32>
    %add3A_39 = vector.broadcast %get3A_38 : vector<1x128xf32> to vector<2000x128xf32>
    %add3A_40 = arith.addf %dot_general3A_35, %add3A_39 : vector<2000x128xf32>
    %swap3A = arith.constant 0 : index
    %swap3A_41 = arith.constant 0 : index
    %swap3A_42 = vector.load %arg8[%swap3A, %swap3A_41] : memref<2000x128xf32, #tpu.memory_space<vmem>>, vector<2000x128xf32>
    tpu.vector_store %arg8[%swap3A, %swap3A_41], %add3A_40 {strides = array<i32>} : memref<2000x128xf32, #tpu.memory_space<vmem>>, vector<2000x128xf32>,
    return
  }
  func.func @transform_0(%arg0: i32) -> (i32, i32) {
    %c0_i32 = arith.constant 0 : i32
    %c0_i32_0 = arith.constant 0 : i32
    return %arg0, %c0_i32 : i32, i32
  }
  func.func @transform_1(%arg0: i32) -> (i32, i32) {
    %c0_i32 = arith.constant 0 : i32
    %c0_i32_0 = arith.constant 0 : i32
    %c0_i32_1 = arith.constant 0 : i32
    return %c0_i32, %c0_i32_0 : i32, i32
  }
  func.func @transform_2(%arg0: i32) -> (i32, i32) {
    %c0_i32 = arith.constant 0 : i32
    %c0_i32_0 = arith.constant 0 : i32
    %c0_i32_1 = arith.constant 0 : i32
    return %c0_i32, %c0_i32_0 : i32, i32
  }
  func.func @transform_3(%arg0: i32) -> (i32, i32) {
    %c0_i32 = arith.constant 0 : i32
    %c0_i32_0 = arith.constant 0 : i32
    %c0_i32_1 = arith.constant 0 : i32
    return %c0_i32, %c0_i32_0 : i32, i32
  }
  func.func @transform_4(%arg0: i32) -> (i32, i32) {
    %c0_i32 = arith.constant 0 : i32
    %c0_i32_0 = arith.constant 0 : i32
    %c0_i32_1 = arith.constant 0 : i32
    return %c0_i32, %c0_i32_0 : i32, i32
  }
  func.func @transform_5(%arg0: i32) -> (i32, i32) {
    %c0_i32 = arith.constant 0 : i32
    %c0_i32_0 = arith.constant 0 : i32
    %c0_i32_1 = arith.constant 0 : i32
    return %c0_i32, %c0_i32_0 : i32, i32
  }
  func.func @transform_6(%arg0: i32) -> (i32, i32) {
    %c0_i32 = arith.constant 0 : i32
    %c0_i32_0 = arith.constant 0 : i32
    %c0_i32_1 = arith.constant 0 : i32
    return %c0_i32, %c0_i32_0 : i32, i32
  }
  func.func @transform_7(%arg0: i32) -> (i32, i32) {
    %c0_i32 = arith.constant 0 : i32
    %c0_i32_0 = arith.constant 0 : i32
    return %arg0, %c0_i32 : i32, i32
  }
}

</mosaic_0001>

<sc_bundles>
// kernel: kernel.12.cloned.1.call-start
scs
__scs_entry_jumppad:
0x0: {  	(pc) =	sbr.rel $0x88, $3  }
0x1: {  	(tag) =	ssettag $0x0;
	lr =	simm.s32 $0x1  }
0x2: {  	[smem:$0x3F97] =	sst lr;
	_ =	strace $0xD0000000  }
0x3: {  	_ = 	snop  }
0x4: {  	_ = 	snop  }
0x5: {  	_ = 	snop  }
0x6: {  	_ = 	snop  }
0x7: {  	_ = 	snop  }
__scs_overlays_trampoline_lowered:
0x8: {  	[smem:$0x3FA6] =	sst s0  }
0x9: {  	[smem:$0x3FA7] =	sst s1  }
0xa: {  	[smem:$0x3FA8] =	sst s2  }
0xb: {  	[smem:$0x3FA9] =	sst s3  }
0xc: {  	[smem:$0x3FAA] =	sst s4  }
0xd: {  	[smem:$0x3FAB] =	sst s5  }
0xe: {  	[smem:$0x3FAC] =	sst s6  }
0xf: {  	[smem:$0x3FAD] =	sst s7  }
0x10: {  	[smem:$0x3FAE] =	sst s8  }
0x11: {  	[smem:$0x3FAF] =	sst s9;
	s0 =	simm.s32 @!p0 $0x0  }
0x12: {  	s1 =	sld [smem:$0x3F95];
	s0 =	simm.s32 @p0 $0x1  }
0x13: {  	[smem:$0x3FB0] =	sst s0;
	s0 =	simm.s32 @!p1 $0x0  }
0x14: {  	s2 =	sld [smem:$0x3F94];
	s0 =	simm.s32 @p1 $0x1  }
0x15: {  	[smem:$0x3FB1] =	sst s0;
	s0 =	simm.s32 @!p2 $0x0  }
0x16: {  	s3 =	sld [smem:$0x3FDB];
	s0 =	simm.s32 @p2 $0x1  }
0x17: {  	s4 =	simm.s32 $0x1BF5;
	[smem:$0x3FB3] =	sst s0  }
0x18: {  	s0 =	sld [smem:$0x3F96];
	_ =	swait.ge [sflag:s4], $0x0  }
0x19: {  	s7 =	sld [smem:$0x3F97]  }
0x1a: {  	s8 =	sadd.s32 $0xFFFFE003, lr  }
0x1b: {  	s9 =	sadd.s32 $0xFFFFFEF7, lr;
	s5 =	simm.s32 $0xFFFFFFFF;
	p2 =	slt.u32 s8, $0xFFFFF086  }
0x1c: {  	p1 =	slt.u32 s9, $0xF7A;
	s5 =	simm.s32 @!p2 $0x0  }
0x1d: {  	s5 =	simm.s32 @p1 $0x1;
	p0 =	seq.s32 s7, s2  }
0x1e: {  	s7 =	smul.u32 @!p0 $0xF7A, s2;
	p2 =	seq.s32 @!p0 s5, $0x0  }
0x1f: {  	s9 =	smul.u32 $0xF7A, s1;
	s8 =	simm.s32 @!p0 $0x1BF5;
	p2 =	por !p2, p0  }
0x20: {  	[sflag:s8] =	ssyncset.s32 @!p0 $0xFFFFF086;
	s6 =	sadd.s32 @!p0 s3, s7;
	s7 =	simm.s32 @!p0 $0x108  }
0x21: {  	s3 =	sadd.s32 s3, s9;
	s6 =	sadd.s32 @!p0 $0x88, s6;
	s7 =	simm.s32 @p2 $0x1082  }
0x22: {  	[simem:s7], [sflag:s8] =	dma.local @!p0 [hbm:s6], $0xF7A  }
0x23: {  	s9 =	sor.u32 $0xD0000000, s2;
	s6 =	simm.s32 $0x108;
	_ =	swait.ge @!p0 [sflag:s8], $0x0  }
0x24: {  	s3 =	sadd.s32 $0x88, s3;
	s6 =	simm.s32 @!p1 $0x1082;
	[sflag:s4] =	ssyncset.s32 $0xFFFFF086  }
0x25: {  	[simem:s6], [sflag:s4] =	dma.local [hbm:s3], $0xF7A  }
0x26: {  	[smem:$0x3F97] =	sst s1;
	(tag) =	ssettag s2;
	_ =	strace s9  }
0x27: {  	s1 =	sld [smem:$0x3FA7]  }
0x28: {  	s2 =	sld [smem:$0x3FA8]  }
0x29: {  	s4 =	sld [smem:$0x3FAA]  }
0x2a: {  	p0 =	seq.s32 s5, $0x0;
	s5 =	sld [smem:$0x3FAB]  }
0x2b: {  	s6 =	sld [smem:$0x3FAC]  }
0x2c: {  	s7 =	sld [smem:$0x3FAD]  }
0x2d: {  	s3 =	simm.s32 $0x108;
	s8 =	sld [smem:$0x3FAE]  }
0x2e: {  	s3 =	simm.s32 @!p0 $0x1082;
	s9 =	sld [smem:$0x3FAF]  }
0x2f: {  	lr =	sadd.s32 s0, s3;
	s0 =	sld [smem:$0x3FA6]  }
0x30: {  	s3 =	sld [smem:$0x3FA9]  }
0x31: {  	[smem:$0x3FB2] =	sst s10  }
0x32: {  	s10 =	sld [smem:$0x3FB0];
	_ =	sdelay $0x3  }
0x33: {  	p0 =	seq.s32 s10, $0x1;
	s10 =	sld [smem:$0x3FB2];
	_ =	sdelay $0x3  }
0x34: {  	[smem:$0x3FB2] =	sst s10  }
0x35: {  	s10 =	sld [smem:$0x3FB1];
	_ =	sdelay $0x3  }
0x36: {  	p1 =	seq.s32 s10, $0x1;
	s10 =	sld [smem:$0x3FB2];
	_ =	sdelay $0x3  }
0x37: {  	[smem:$0x3FB2] =	sst s10  }
0x38: {  	s10 =	sld [smem:$0x3FB3]  }
0x39: {  	_ = 	snop;
	(pc) =	sbr.ind lr, $3  }
0x3a: {  	_ = 	snop  }
0x3b: {  	_ = 	snop  }
0x3c: {  	p2 =	seq.s32 s10, $0x1;
	s10 =	sld [smem:$0x3FB2]  }
0x3d: {  	_ =	shalt  }
0x3e: {  	_ =	shalt  }
0x3f: {  	_ =	shalt  }
0x40: {  	_ =	shalt  }
0x41: {  	_ =	shalt  }
0x42: {  	_ =	shalt  }
0x43: {  	_ =	shalt  }
0x44: {  	_ =	shalt  }
0x45: {  	_ =	shalt  }
0x46: {  	_ =	shalt  }
0x47: {  	_ =	shalt  }
0x48: {  	_ =	shalt  }
0x49: {  	_ =	shalt  }
0x4a: {  	_ =	shalt  }
0x4b: {  	_ =	shalt  }
0x4c: {  	_ =	shalt  }
0x4d: {  	_ =	shalt  }
0x4e: {  	_ =	shalt  }
0x4f: {  	_ =	shalt  }
0x50: {  	_ =	shalt  }
0x51: {  	_ =	shalt  }
0x52: {  	_ =	shalt  }
0x53: {  	_ =	shalt  }
0x54: {  	_ =	shalt  }
0x55: {  	_ =	shalt  }
0x56: {  	_ =	shalt  }
0x57: {  	_ =	shalt  }
0x58: {  	_ =	shalt  }
0x59: {  	_ =	shalt  }
0x5a: {  	_ =	shalt  }
0x5b: {  	_ =	shalt  }
0x5c: {  	_ =	shalt  }
0x5d: {  	_ =	shalt  }
0x5e: {  	_ =	shalt  }
0x5f: {  	_ =	shalt  }
0x60: {  	_ =	shalt  }
0x61: {  	_ =	shalt  }
0x62: {  	_ =	shalt  }
0x63: {  	_ =	shalt  }
0x64: {  	_ =	shalt  }
0x65: {  	_ =	shalt  }
0x66: {  	_ =	shalt  }
0x67: {  	_ =	shalt  }
0x68: {  	_ =	shalt  }
0x69: {  	_ =	shalt  }
0x6a: {  	_ =	shalt  }
0x6b: {  	_ =	shalt  }
0x6c: {  	_ =	shalt  }
0x6d: {  	_ =	shalt  }
0x6e: {  	_ =	shalt  }
0x6f: {  	_ =	shalt  }
0x70: {  	_ =	shalt  }
0x71: {  	_ =	shalt  }
0x72: {  	_ =	shalt  }
0x73: {  	_ =	shalt  }
0x74: {  	_ =	shalt  }
0x75: {  	_ =	shalt  }
0x76: {  	_ =	shalt  }
0x77: {  	_ =	shalt  }
0x78: {  	_ =	shalt  }
0x79: {  	_ =	shalt  }
0x7a: {  	_ =	shalt  }
0x7b: {  	_ =	shalt  }
0x7c: {  	_ =	shalt  }
0x7d: {  	_ =	shalt  }
0x7e: {  	_ =	shalt  }
0x7f: {  	_ =	shalt  }
0x80: {  	_ =	shalt  }
0x81: {  	_ =	shalt  }
0x82: {  	_ =	shalt  }
0x83: {  	_ =	shalt  }
0x84: {  	_ =	shalt  }
0x85: {  	_ =	shalt  }
0x86: {  	_ =	shalt  }
0x87: {  	_ =	shalt  }
.Lfunc_end0:
.L_simem_size_0:
called_computation.1_lowered:
.L_overlay_start_0:
0x88: {  	s2 =	sld [smem:$0x3FD9]  }
0x89: {  	s3 =	sld [smem:$0x3FFE];
	_ =	sdelay $0x1  }
0x8a: {  	s1 =	srdreg.scid  }
0x8b: {  	s0 =	sand.u32 $0x1, s1  }
0x8c: {  	s17 =	sshll.u32 s0, $0xA;
	s2 =	sadd.s32 s3, s2  }
0x8d: {  	s2 =	sadd.s32 s2, s17  }
0x8e: {  	[smem:$0x3FBE] =	sst s2  }
0x8f: {  	_ = 	snop  }
0x90: {  	s2 =	sld [smem:$0x3FD0];
	(tm) =	ssettm $0x1  }
0x91: {  	s18 =	sld [smem:$0x3FFB];
	_ =	sdelay $0x3  }
0x92: {  	_ =	strace s18  }
0x93: {  	s3 =	sld [smem:$0x3FFC];
	_ =	sdelay $0x3  }
0x94: {  	_ =	strace s3  }
0x95: {  	s3 =	sld [smem:$0x3FFD];
	_ =	sdelay $0x3  }
0x96: {  	_ =	strace s3  }
0x97: {  	_ =	strace $0x8FFFFFFF  }
0x98: {  	s19 =	sld [smem:$0x3FDB];
	_ =	sdelay $0x1  }
0x99: {  	s4 =	simm.s32 $_scs_section_size  }
0x9a: {  	s5 =	simm.s32 $_size__tile_overlayer_lowered;
	s6 =	simm.s32 $_tile_overlayer_lowered  }
0x9b: {  	s22 =	simm.s32 $0x1BFF;
	s21 =	sshll.u32 s6, $0x1;
	s3 =	sadd.s32 s4, s19  }
0x9c: {  	s7 =	simm.s32 $0x0;
	s20 =	sshll.u32 s5, $0x1;
	s5 =	sadd.s32 s21, s3  }
0x9d: {  	[timem:s7], [sflag:s22] =	dma.local [hbm:s5], s20  }
0x9e: {  	_ =	swait.ge [sflag:s22], s20  }
0x9f: {  	s4 =	ssub.s32 $0x0, s20;
	[sflag:s22] =	ssyncset.done $0x0  }
0xa0: {  	[sflag:s22] =	ssyncadd.s32 s4;
	_ =	sdelay $0x1  }
0xa1: {  	s23 =	simm.s32 $0x1B8B  }
0xa2: {  	_ =	swait.ge [sflag:s23], $0x1  }
0xa3: {  	[sflag:s23] =	ssyncset.done $0x0  }
0xa4: {  	s25 =	simm.s32 $0x1B8E;
	s24 =	sld [smem:$0x3FFE];
	[sflag:s23] =	ssyncadd.s32 $0xFFFFFFFF  }
0xa5: {  	s26 =	simm.s32 $execute0_lowered;
	[smem:$0x3FD2] =	sst s25  }
0xa6: {  	s5 =	sshll.u32 s26, $0x1;
	_ =	strace $0x80000049;
	[dreg:$0x1] =	wrdreg $0xFFFFFFFF  }
0xa7: {  	s28 =	simm.s32 $_size_execute0_lowered;
	s3 =	sadd.s32 s3, s5;
	[dreg:$0x0] =	wrdreg $0x0  }
0xa8: {  	s5 =	sshll.u32 s28, $0x1;
	[dreg:$0x2] =	wrdreg s3  }
0xa9: {  	[dreg:$0x3] =	wrdreg s5  }
0xaa: {  	[dreg:$0x4] =	wrdreg $0xC0  }
0xab: {  	_ =	task [dreg:s7], $0x5FFFF  }
0xac: {  	[dreg:$0x1] =	wrdreg $0xFFFFFFFF  }
0xad: {  	[dreg:$0x0] =	wrdreg $0x60  }
0xae: {  	[dreg:$0x2] =	wrdreg s2  }
0xaf: {  	[dreg:$0x3] =	wrdreg s24  }
0xb0: {  	[dreg:$0x4] =	wrdreg $0xA8000  }
0xb1: {  	[dreg:$0x5] =	wrdreg $0x9  }
0xb2: {  	_ =	task.clear_ibuf [dreg:s7], $0x6FFFF;
	_ =	strace $0x90000049  }
0xb3: {  	s29 =	simm.s32 $0x9;
	_ =	strace $0x8000004B  }
0xb4: {  	_ =	swait.ge [sflag:s29], $0x1  }
0xb5: {  	[sflag:s29] =	ssyncadd.s32 $0xFFFFFFFF  }
0xb6: {  	_ =	strace $0x9000004B  }
0xb7: {  	_ =	sfence  }
0xb8: {  	s30 =	sld [smem:$0x0];
	_ =	sdelay $0x2  }
0xb9: {  	s31 =	sshll.u32 s1, $0xD;
	s1 =	sshrl.u32 s1, $0x2  }
0xba: {  	s3 =	sand.u32 $0x4000, s31;
	s1 =	sadd.s32 s1, s30  }
0xbb: {  	s0 =	sor.u32 s3, s0;
	s1 =	sshll.u32 s1, $0x11  }
0xbc: {  	s0 =	sor.u32 s1, s0  }
0xbd: {  	s0 =	sadd.s32 $0x8F2B, s0  }
0xbe: {  	[sflag:s0] =	ssyncadd.remote.s32 $0x1  }
0xbf: {  	_ =	sfence.sel $0xFFFF  }
0xc0: {  	[dreg:$0x0] =	wrdreg $0xFFFFFFFF;
	(pc) =	sbr.abs _section_cstart, $3  }
0xc1: {  	[dreg:$0x1] =	wrdreg $0xFFFFFFFF  }
0xc2: {  	_ =	task.clear_ibuf [dreg:s7], $0x2FFFF;
	_ =	strace $0x9FFFFFFF  }
0xc3: {  	(tm) =	ssettm $0x7FFFFFFF  }
tec
execute0_lowered:
.L_overlay_start_1:
0x0: {  	(tag) =	ssettag $0x1  }
0x1: {  	s1 =	rddreg [dreg:$0x0]  }
0x2: {  	s6 =	rddreg [dreg:$0x1]  }
0x3: {  	s2 =	rddreg [dreg:$0x2];
	s3 =	srdreg.scid  }
0x4: {  	s0 =	rddreg [dreg:$0x3];
	s4 =	simm.s32 $0x0;
	s15 =	simm.s32 $0x1400  }
0x5: {  	s16 =	simm.s32 $0x7D;
	s17 =	simm.s32 $0x2800;
	s18 =	simm.s32 $0x6800  }
0x6: {  	s19 =	simm.s32 $0x1;
	s20 =	simm.s32 $0x2;
	s21 =	simm.s32 $0x1380  }
0x7: {  	s22 =	simm.s32 $0x2700;
	s5 =	sand.u32 $0x1, s3;
	s3 =	stileid.u32  }
0x8: {  	s23 =	simm.s32 $0x2780;
	[smem:$0x7FF] =	sst s4;
	s7 =	smul.u32 $0x140000, s5  }
0x9: {  	s9 =	sadd.s32 $0x5FA00, s6;
	s10 =	sadd.s32 $0x3200, s6;
	s8 =	smul.u32 $0x14000, s3  }
0xa: {  	_ =	strace $0x8000004A;
	s24 =	sshll.u32 s3, $0x1;
	s11 =	ssub.s32 $0x2, s5  }
0xb: {  	s25 =	smul.u32 $0x50000, s3;
	s28 =	sshll.u32 s3, $0x6;
	s5 =	sor.u32 s5, s24  }
0xc: {  	s12 =	sshrl.u32 s11, $0x1;
	s24 =	simm.s32 $0x0;
	s7 =	sadd.s32 s8, s7  }
0xd: {  	s13 =	smul.u32 $0x2800, s5;
	s5 =	sadd.s32 $0xD200, s6;
	s26 =	sshrl.u32 s25, $0x2  }
0xe: {  	s12 =	ssub.s32 s11, s12;
	s7 =	sshrl.u32 s7, $0x3;
	s30 =	sadd.s32 s26, s2  }
0xf: {  	s12 =	smax.u32 s12, $0x1;
	s14 =	sadd.s32 s7, s6;
	s29 =	sshrl.u32 s13, $0x3  }
0x10: {  	s6 =	sor.u32 $0x1C03, s28;
	s13 =	sshrl.u32 s30, $0x3;
	s31 =	sadd.s32 $0x280, s29  }
0x11: {  	s7 =	sadd.s32 s9, s29;
	s8 =	sadd.s32 s10, s29;
	s11 =	sadd.s32 $0xFA00, s14  }
0x12: {  	s14 =	simm.s32 $0x3;
	s9 =	sadd.s32 s9, s31;
	s10 =	sadd.s32 s10, s31  }
.LBB2_1:
0x13: {  	[spmem:s13], [sflag:s6] =	dma.local [hbm:s5], $0x2800  }
0x14: {  	_ =	swait.ge [sflag:s14], $0x2800  }
0x15: {  	[sflag:s14] =	ssyncset.done $0x0  }
0x16: {  	[sflag:s14] =	ssyncadd.s32 $0xFFFFD800  }
0x17: {  	[bflag:$0x0] =	sbarrier.arrive $0xFFFF  }
0x18: {  	[tilespmem:s4], [sflag:$0x3] =	stream.linear.gather [hbm4b:s7+s4], $0x1400, $0x38;
	[tilespmem:$0x1E800] =	vst v63  }
0x19: {  	_ =	swait.ge [sflag:s14], $0x1400  }
0x1a: {  	[sflag:s14] =	ssyncset.done $0x0  }
0x1b: {  	[sflag:s14] =	ssyncadd.s32 $0xFFFFEC00  }
0x1c: {  	[tilespmem:s15], [sflag:$0x3] =	stream.linear.gather [hbm4b:s8+s4], $0x1400, $0x38;
	[tilespmem:$0x1E800] =	vst v63  }
0x1d: {  	_ =	swait.ge [sflag:s14], $0x1400  }
0x1e: {  	[sflag:s14] =	ssyncset.done $0x0  }
0x1f: {  	[sflag:s14] =	ssyncadd.s32 $0xFFFFEC00  }
0x20: {  	[tilespmem:s17], [sflag:$0x1] =	stream.indirect.gather [hbm4b:s1+s16], $0x80, s4, s16, $0xb8;
	[tilespmem:$0x1E800] =	vst v63  }
0x21: {  	s25 =	simm.s32 $0x80  }
0x22: {  	[tilespmem:s18], [sflag:$0x2] =	stream.indirect.gather [hbm4b:s1+s16], $0x80, s25, s16, $0xb8;
	[tilespmem:$0x1E800] =	vst v63  }
0x23: {  	_ =	swait.ge [sflag:s19], $0x3E80  }
0x24: {  	[sflag:s19] =	ssyncset.done $0x0  }
0x25: {  	s29 =	simm.s32 $0x1400;
	[sflag:s19] =	ssyncadd.s32 $0xFFFFC180  }
0x26: {  	[spmem:s2] =	stream.indirect.scatter.add.f32 [tilespmem:s17], [sflag:$0x3], $0x80, s29, s16, $0xb8;
	[tilespmem:$0x1E800] =	vst v63  }
0x27: {  	_ =	swait.ge [sflag:s14], $0x3E80  }
0x28: {  	[sflag:s14] =	ssyncset.done $0x0  }
0x29: {  	s30 =	simm.s32 $0x100;
	[sflag:s14] =	ssyncadd.s32 $0xFFFFC180  }
0x2a: {  	[tilespmem:s17], [sflag:$0x1] =	stream.indirect.gather [hbm4b:s1+s16], $0x80, s30, s16, $0xb8;
	[tilespmem:$0x1E800] =	vst v63  }
0x2b: {  	_ =	swait.ge [sflag:s20], $0x3E80  }
0x2c: {  	[sflag:s20] =	ssyncset.done $0x0  }
0x2d: {  	s31 =	simm.s32 $0x1480;
	[sflag:s20] =	ssyncadd.s32 $0xFFFFC180  }
0x2e: {  	[spmem:s2] =	stream.indirect.scatter.add.f32 [tilespmem:s18], [sflag:$0x3], $0x80, s31, s16, $0xb8;
	[tilespmem:$0x1E800] =	vst v63  }
0x2f: {  	_ =	swait.ge [sflag:s14], $0x3E80  }
0x30: {  	s26 =	simm.s32 $0x800;
	s25 =	simm.s32 $0x100;
	[sflag:s14] =	ssyncset.done $0x0  }
.LBB2_2:
0x31: {  	s28 =	sadd.s32 $0x80, s25  }
0x32: {  	[sflag:s14] =	ssyncadd.s32 $0xFFFFC180;
	s29 =	smov.u32 s26;
	s30 =	sadd.s32 $0x400, s26  }
0x33: {  	[tilespmem:s18], [sflag:$0x2] =	stream.indirect.gather [hbm4b:s1+s16], $0x80, s28, s16, $0xb8;
	[tilespmem:$0x1E800] =	vst v63  }
0x34: {  	p0 =	sne.s32 s26, $0x4800;
	_ =	swait.ge [sflag:s19], $0x3E80  }
0x35: {  	[sflag:s19] =	ssyncset.done $0x0  }
0x36: {  	s26 =	sadd.s32 $0x1400, s25;
	[sflag:s19] =	ssyncadd.s32 $0xFFFFC180  }
0x37: {  	[spmem:s2] =	stream.indirect.scatter.add.f32 [tilespmem:s17], [sflag:$0x3], $0x80, s26, s16, $0xb8;
	[tilespmem:$0x1E800] =	vst v63  }
0x38: {  	_ =	swait.ge [sflag:s14], $0x3E80  }
0x39: {  	[sflag:s14] =	ssyncset.done $0x0  }
0x3a: {  	s26 =	sadd.s32 $0x100, s25;
	[sflag:s14] =	ssyncadd.s32 $0xFFFFC180  }
0x3b: {  	[tilespmem:s17], [sflag:$0x1] =	stream.indirect.gather [hbm4b:s1+s16], $0x80, s26, s16, $0xb8;
	[tilespmem:$0x1E800] =	vst v63  }
0x3c: {  	_ =	swait.ge [sflag:s20], $0x3E80  }
.Ltmp0:
0x3d: {  	[sflag:s20] =	ssyncset.done $0x0;
	(pc) =	sbr.rel @p0 .LBB2_2-.Ltmp0, $4  }
0x3e: {  	s25 =	sadd.s32 $0x1480, s25;
	[sflag:s20] =	ssyncadd.s32 $0xFFFFC180  }
0x3f: {  	[spmem:s2] =	stream.indirect.scatter.add.f32 [tilespmem:s18], [sflag:$0x3], $0x80, s25, s16, $0xb8;
	[tilespmem:$0x1E800] =	vst v63  }
0x40: {  	_ =	swait.ge [sflag:s14], $0x3E80  }
0x41: {  	s26 =	smov.u32 s30;
	s25 =	sshra.s32 s29, $0x2;
	[sflag:s14] =	ssyncset.done $0x0  }
0x42: {  	s26 =	sadd.s32 $0x80, s25;
	[sflag:s14] =	ssyncadd.s32 $0xFFFFC180  }
0x43: {  	[tilespmem:s18], [sflag:$0x2] =	stream.indirect.gather [hbm4b:s1+s16], $0x80, s26, s16, $0xb8;
	[tilespmem:$0x1E800] =	vst v63  }
0x44: {  	_ =	swait.ge [sflag:s19], $0x3E80  }
0x45: {  	[sflag:s19] =	ssyncset.done $0x0  }
0x46: {  	s29 =	sadd.s32 $0x1400, s25;
	[sflag:s19] =	ssyncadd.s32 $0xFFFFC180  }
0x47: {  	[spmem:s2] =	stream.indirect.scatter.add.f32 [tilespmem:s17], [sflag:$0x3], $0x80, s29, s16, $0xb8;
	[tilespmem:$0x1E800] =	vst v63  }
0x48: {  	_ =	swait.ge [sflag:s14], $0x3E80  }
0x49: {  	[sflag:s14] =	ssyncset.done $0x0  }
0x4a: {  	s30 =	sadd.s32 $0x100, s25;
	[sflag:s14] =	ssyncadd.s32 $0xFFFFC180  }
0x4b: {  	[tilespmem:s17], [sflag:$0x1] =	stream.indirect.gather [hbm4b:s1+s16], $0x80, s30, s16, $0xb8;
	[tilespmem:$0x1E800] =	vst v63  }
0x4c: {  	_ =	swait.ge [sflag:s20], $0x3E80  }
0x4d: {  	[sflag:s20] =	ssyncset.done $0x0  }
0x4e: {  	s31 =	sadd.s32 $0x1480, s25;
	[sflag:s20] =	ssyncadd.s32 $0xFFFFC180  }
0x4f: {  	[spmem:s2] =	stream.indirect.scatter.add.f32 [tilespmem:s18], [sflag:$0x3], $0x80, s31, s16, $0xb8;
	[tilespmem:$0x1E800] =	vst v63  }
0x50: {  	_ =	swait.ge [sflag:s14], $0x3E80  }
0x51: {  	[sflag:s14] =	ssyncset.done $0x0  }
0x52: {  	[sflag:s14] =	ssyncadd.s32 $0xFFFFC180  }
0x53: {  	[tilespmem:s18], [sflag:$0x2] =	stream.indirect.gather [hbm4b:s1+s16], $0x80, s21, s16, $0xb8;
	[tilespmem:$0x1E800] =	vst v63  }
0x54: {  	_ =	swait.ge [sflag:s19], $0x3E80  }
0x55: {  	[sflag:s19] =	ssyncset.done $0x0  }
0x56: {  	[sflag:s19] =	ssyncadd.s32 $0xFFFFC180  }
0x57: {  	[spmem:s2] =	stream.indirect.scatter.add.f32 [tilespmem:s17], [sflag:$0x3], $0x80, s22, s16, $0xb8;
	[tilespmem:$0x1E800] =	vst v63  }
0x58: {  	_ =	swait.ge [sflag:s14], $0x3E80  }
0x59: {  	[sflag:s14] =	ssyncset.done $0x0  }
0x5a: {  	[sflag:s14] =	ssyncadd.s32 $0xFFFFC180  }
0x5b: {  	_ =	swait.ge [sflag:s20], $0x3E80  }
0x5c: {  	[sflag:s20] =	ssyncset.done $0x0  }
0x5d: {  	[sflag:s20] =	ssyncadd.s32 $0xFFFFC180  }
0x5e: {  	[spmem:s2] =	stream.indirect.scatter.add.f32 [tilespmem:s18], [sflag:$0x3], $0x80, s23, s16, $0xb8;
	[tilespmem:$0x1E800] =	vst v63  }
0x5f: {  	_ =	swait.ge [sflag:s14], $0x3E80  }
0x60: {  	[sflag:s14] =	ssyncset.done $0x0  }
0x61: {  	s26 =	simm.s32 $0x0;
	[sflag:s14] =	ssyncadd.s32 $0xFFFFC180  }
0x62: {  	[tilespmem:s26], [sflag:$0x3] =	stream.linear.gather [hbm4b:s9+s26], $0x1400, $0x38;
	[tilespmem:$0x1E800] =	vst v63  }
0x63: {  	_ =	swait.ge [sflag:s14], $0x1400  }
0x64: {  	[sflag:s14] =	ssyncset.done $0x0  }
0x65: {  	[sflag:s14] =	ssyncadd.s32 $0xFFFFEC00  }
0x66: {  	[tilespmem:s15], [sflag:$0x3] =	stream.linear.gather [hbm4b:s10+s26], $0x1400, $0x38;
	[tilespmem:$0x1E800] =	vst v63  }
0x67: {  	_ =	swait.ge [sflag:s14], $0x1400  }
0x68: {  	[sflag:s14] =	ssyncset.done $0x0  }
0x69: {  	[sflag:s14] =	ssyncadd.s32 $0xFFFFEC00  }
0x6a: {  	[tilespmem:s17], [sflag:$0x1] =	stream.indirect.gather [hbm4b:s1+s16], $0x80, s26, s16, $0xb8;
	[tilespmem:$0x1E800] =	vst v63  }
0x6b: {  	s28 =	simm.s32 $0x80  }
0x6c: {  	[tilespmem:s18], [sflag:$0x2] =	stream.indirect.gather [hbm4b:s1+s16], $0x80, s28, s16, $0xb8;
	[tilespmem:$0x1E800] =	vst v63  }
0x6d: {  	_ =	swait.ge [sflag:s19], $0x3E80  }
0x6e: {  	[sflag:s19] =	ssyncset.done $0x0  }
0x6f: {  	s29 =	simm.s32 $0x1400;
	[sflag:s19] =	ssyncadd.s32 $0xFFFFC180  }
0x70: {  	[spmem:s2] =	stream.indirect.scatter.add.f32 [tilespmem:s17], [sflag:$0x3], $0x80, s29, s16, $0xb8;
	[tilespmem:$0x1E800] =	vst v63  }
0x71: {  	_ =	swait.ge [sflag:s14], $0x3E80  }
0x72: {  	[sflag:s14] =	ssyncset.done $0x0  }
0x73: {  	s30 =	simm.s32 $0x100;
	[sflag:s14] =	ssyncadd.s32 $0xFFFFC180  }
0x74: {  	[tilespmem:s17], [sflag:$0x1] =	stream.indirect.gather [hbm4b:s1+s16], $0x80, s30, s16, $0xb8;
	[tilespmem:$0x1E800] =	vst v63  }
0x75: {  	_ =	swait.ge [sflag:s20], $0x3E80  }
0x76: {  	[sflag:s20] =	ssyncset.done $0x0  }
0x77: {  	s31 =	simm.s32 $0x1480;
	[sflag:s20] =	ssyncadd.s32 $0xFFFFC180  }
0x78: {  	[spmem:s2] =	stream.indirect.scatter.add.f32 [tilespmem:s18], [sflag:$0x3], $0x80, s31, s16, $0xb8;
	[tilespmem:$0x1E800] =	vst v63  }
0x79: {  	_ =	swait.ge [sflag:s14], $0x3E80  }
0x7a: {  	s25 =	simm.s32 $0x100;
	s26 =	simm.s32 $0x800;
	[sflag:s14] =	ssyncset.done $0x0  }
.LBB2_4:
0x7b: {  	s28 =	sadd.s32 $0x80, s25  }
0x7c: {  	[sflag:s14] =	ssyncadd.s32 $0xFFFFC180;
	s29 =	smov.u32 s26;
	s30 =	sadd.s32 $0x400, s26  }
0x7d: {  	[tilespmem:s18], [sflag:$0x2] =	stream.indirect.gather [hbm4b:s1+s16], $0x80, s28, s16, $0xb8;
	[tilespmem:$0x1E800] =	vst v63  }
0x7e: {  	p0 =	sne.s32 s26, $0x4800;
	_ =	swait.ge [sflag:s19], $0x3E80  }
0x7f: {  	[sflag:s19] =	ssyncset.done $0x0  }
0x80: {  	s26 =	sadd.s32 $0x1400, s25;
	[sflag:s19] =	ssyncadd.s32 $0xFFFFC180  }
0x81: {  	[spmem:s2] =	stream.indirect.scatter.add.f32 [tilespmem:s17], [sflag:$0x3], $0x80, s26, s16, $0xb8;
	[tilespmem:$0x1E800] =	vst v63  }
0x82: {  	_ =	swait.ge [sflag:s14], $0x3E80  }
0x83: {  	[sflag:s14] =	ssyncset.done $0x0  }
0x84: {  	s26 =	sadd.s32 $0x100, s25;
	[sflag:s14] =	ssyncadd.s32 $0xFFFFC180  }
0x85: {  	[tilespmem:s17], [sflag:$0x1] =	stream.indirect.gather [hbm4b:s1+s16], $0x80, s26, s16, $0xb8;
	[tilespmem:$0x1E800] =	vst v63  }
0x86: {  	_ =	swait.ge [sflag:s20], $0x3E80  }
.Ltmp1:
0x87: {  	[sflag:s20] =	ssyncset.done $0x0;
	(pc) =	sbr.rel @p0 .LBB2_4-.Ltmp1, $4  }
0x88: {  	s25 =	sadd.s32 $0x1480, s25;
	[sflag:s20] =	ssyncadd.s32 $0xFFFFC180  }
0x89: {  	[spmem:s2] =	stream.indirect.scatter.add.f32 [tilespmem:s18], [sflag:$0x3], $0x80, s25, s16, $0xb8;
	[tilespmem:$0x1E800] =	vst v63  }
0x8a: {  	_ =	swait.ge [sflag:s14], $0x3E80  }
0x8b: {  	s26 =	smov.u32 s30;
	s25 =	sshra.s32 s29, $0x2;
	[sflag:s14] =	ssyncset.done $0x0  }
0x8c: {  	s26 =	sadd.s32 $0x80, s25;
	[sflag:s14] =	ssyncadd.s32 $0xFFFFC180  }
0x8d: {  	[tilespmem:s18], [sflag:$0x2] =	stream.indirect.gather [hbm4b:s1+s16], $0x80, s26, s16, $0xb8;
	[tilespmem:$0x1E800] =	vst v63  }
0x8e: {  	_ =	swait.ge [sflag:s19], $0x3E80  }
0x8f: {  	[sflag:s19] =	ssyncset.done $0x0  }
0x90: {  	s29 =	sadd.s32 $0x1400, s25;
	[sflag:s19] =	ssyncadd.s32 $0xFFFFC180  }
0x91: {  	[spmem:s2] =	stream.indirect.scatter.add.f32 [tilespmem:s17], [sflag:$0x3], $0x80, s29, s16, $0xb8;
	[tilespmem:$0x1E800] =	vst v63  }
0x92: {  	_ =	swait.ge [sflag:s14], $0x3E80  }
0x93: {  	[sflag:s14] =	ssyncset.done $0x0  }
0x94: {  	s30 =	sadd.s32 $0x100, s25;
	[sflag:s14] =	ssyncadd.s32 $0xFFFFC180  }
0x95: {  	[tilespmem:s17], [sflag:$0x1] =	stream.indirect.gather [hbm4b:s1+s16], $0x80, s30, s16, $0xb8;
	[tilespmem:$0x1E800] =	vst v63  }
0x96: {  	_ =	swait.ge [sflag:s20], $0x3E80  }
0x97: {  	[sflag:s20] =	ssyncset.done $0x0  }
0x98: {  	s31 =	sadd.s32 $0x1480, s25;
	[sflag:s20] =	ssyncadd.s32 $0xFFFFC180  }
0x99: {  	[spmem:s2] =	stream.indirect.scatter.add.f32 [tilespmem:s18], [sflag:$0x3], $0x80, s31, s16, $0xb8;
	[tilespmem:$0x1E800] =	vst v63  }
0x9a: {  	_ =	swait.ge [sflag:s14], $0x3E80  }
0x9b: {  	[sflag:s14] =	ssyncset.done $0x0  }
0x9c: {  	[sflag:s14] =	ssyncadd.s32 $0xFFFFC180  }
0x9d: {  	[tilespmem:s18], [sflag:$0x2] =	stream.indirect.gather [hbm4b:s1+s16], $0x80, s21, s16, $0xb8;
	[tilespmem:$0x1E800] =	vst v63  }
0x9e: {  	_ =	swait.ge [sflag:s19], $0x3E80  }
0x9f: {  	[sflag:s19] =	ssyncset.done $0x0  }
0xa0: {  	[sflag:s19] =	ssyncadd.s32 $0xFFFFC180  }
0xa1: {  	[spmem:s2] =	stream.indirect.scatter.add.f32 [tilespmem:s17], [sflag:$0x3], $0x80, s22, s16, $0xb8;
	[tilespmem:$0x1E800] =	vst v63  }
0xa2: {  	_ =	swait.ge [sflag:s14], $0x3E80  }
0xa3: {  	[sflag:s14] =	ssyncset.done $0x0  }
0xa4: {  	[sflag:s14] =	ssyncadd.s32 $0xFFFFC180  }
0xa5: {  	_ =	swait.ge [sflag:s20], $0x3E80  }
0xa6: {  	[sflag:s20] =	ssyncset.done $0x0  }
0xa7: {  	[sflag:s20] =	ssyncadd.s32 $0xFFFFC180  }
0xa8: {  	[spmem:s2] =	stream.indirect.scatter.add.f32 [tilespmem:s18], [sflag:$0x3], $0x80, s23, s16, $0xb8;
	[tilespmem:$0x1E800] =	vst v63  }
0xa9: {  	_ =	swait.ge [sflag:s14], $0x3E80  }
0xaa: {  	s24 =	sadd.s32 $0x1, s24;
	[sflag:s14] =	ssyncset.done $0x0  }
0xab: {  	p0 =	sne.s32 s24, s12;
	[sflag:s14] =	ssyncadd.s32 $0xFFFFC180  }
.Ltmp2:
0xac: {  	[bflag:$0x0] =	sbarrier.arrive $0xFFFF;
	(pc) =	sbr.rel @p0 .LBB2_1-.Ltmp2, $4  }
0xad: {  	[hbm:s11], [sflag:s6] =	dma.local [spmem:s13], $0x2800  }
0xae: {  	_ =	swait.ge [sflag:s14], $0x2800  }
0xaf: {  	[sflag:s14] =	ssyncset.done $0x0  }
0xb0: {  	[sflag:s14] =	ssyncadd.s32 $0xFFFFD800  }
0xb1: {  	_ =	sfence.sel $0x180000  }
0xb2: {  	[bflag:$0x0] =	sbarrier.arrive $0xFFFF  }
0xb3: {  	p0 =	sne.s32 s3, $0x0;
	_ =	strace $0x9000004A  }
0xb4: {  	s0 =	sadd.s32 @!p0 $0x100000, s0;
	[bflag:$0x2] =	sbarrier.arrive $0xFFFF  }
0xb5: {  	[sflag:s0] =	ssyncadd.tile.s32 @!p0 $0x1;
	_ =	shalt  }
.Lfunc_end2:
_tile_overlayer_lowered:
.L_overlay_start_2:
0xb6: {  	(tag) =	ssettag $0x2  }
0xb7: {  	s0 =	rddreg [dreg:$0x0];
	s2 =	stileid.u32  }
0xb8: {  	s1 =	rddreg [dreg:$0x1];
	p0 =	sne.s32 s2, $0x0  }
0xb9: {  	s3 =	rddreg [dreg:$0x2];
	[bflag:$0x3] =	sbarrier.arrive $0xFFFF;
	s2 =	simm.s32 @!p0 $0x1C03  }
0xba: {  	[timem:s3], [sflag:s2] =	dma.local @!p0 [hbm:s0], s1  }
0xbb: {  	s0 =	simm.s32 @!p0 $0x3  }
0xbc: {  	_ =	swait.ge @!p0 [sflag:s0], s1  }
0xbd: {  	s1 =	ssub.s32 @!p0 $0x0, s1;
	[sflag:s0] =	ssyncset.done @!p0 $0x0  }
0xbe: {  	[sflag:s0] =	ssyncadd.s32 @!p0 s1  }
0xbf: {  	[bflag:$0x3] =	sbarrier.arrive $0xFFFF  }
0xc0: {  	_ =	shalt  }

// kernel: kernel.15.cloned.1.call-start
scs
__scs_entry_jumppad:
0x0: {  	(pc) =	sbr.rel $0x88, $3  }
0x1: {  	(tag) =	ssettag $0x0;
	lr =	simm.s32 $0x1  }
0x2: {  	[smem:$0x3F97] =	sst lr;
	_ =	strace $0xD0000000  }
0x3: {  	_ = 	snop  }
0x4: {  	_ = 	snop  }
0x5: {  	_ = 	snop  }
0x6: {  	_ = 	snop  }
0x7: {  	_ = 	snop  }
__scs_overlays_trampoline_lowered:
0x8: {  	[smem:$0x3FA6] =	sst s0  }
0x9: {  	[smem:$0x3FA7] =	sst s1  }
0xa: {  	[smem:$0x3FA8] =	sst s2  }
0xb: {  	[smem:$0x3FA9] =	sst s3  }
0xc: {  	[smem:$0x3FAA] =	sst s4  }
0xd: {  	[smem:$0x3FAB] =	sst s5  }
0xe: {  	[smem:$0x3FAC] =	sst s6  }
0xf: {  	[smem:$0x3FAD] =	sst s7  }
0x10: {  	[smem:$0x3FAE] =	sst s8  }
0x11: {  	[smem:$0x3FAF] =	sst s9;
	s0 =	simm.s32 @!p0 $0x0  }
0x12: {  	s1 =	sld [smem:$0x3F95];
	s0 =	simm.s32 @p0 $0x1  }
0x13: {  	[smem:$0x3FB0] =	sst s0;
	s0 =	simm.s32 @!p1 $0x0  }
0x14: {  	s2 =	sld [smem:$0x3F94];
	s0 =	simm.s32 @p1 $0x1  }
0x15: {  	[smem:$0x3FB1] =	sst s0;
	s0 =	simm.s32 @!p2 $0x0  }
0x16: {  	s3 =	sld [smem:$0x3FDB];
	s0 =	simm.s32 @p2 $0x1  }
0x17: {  	s4 =	simm.s32 $0x1BF5;
	[smem:$0x3FB3] =	sst s0  }
0x18: {  	s0 =	sld [smem:$0x3F96];
	_ =	swait.ge [sflag:s4], $0x0  }
0x19: {  	s7 =	sld [smem:$0x3F97]  }
0x1a: {  	s8 =	sadd.s32 $0xFFFFE003, lr  }
0x1b: {  	s9 =	sadd.s32 $0xFFFFFEF7, lr;
	s5 =	simm.s32 $0xFFFFFFFF;
	p2 =	slt.u32 s8, $0xFFFFF086  }
0x1c: {  	p1 =	slt.u32 s9, $0xF7A;
	s5 =	simm.s32 @!p2 $0x0  }
0x1d: {  	s5 =	simm.s32 @p1 $0x1;
	p0 =	seq.s32 s7, s2  }
0x1e: {  	s7 =	smul.u32 @!p0 $0xF7A, s2;
	p2 =	seq.s32 @!p0 s5, $0x0  }
0x1f: {  	s9 =	smul.u32 $0xF7A, s1;
	s8 =	simm.s32 @!p0 $0x1BF5;
	p2 =	por !p2, p0  }
0x20: {  	[sflag:s8] =	ssyncset.s32 @!p0 $0xFFFFF086;
	s6 =	sadd.s32 @!p0 s3, s7;
	s7 =	simm.s32 @!p0 $0x108  }
0x21: {  	s3 =	sadd.s32 s3, s9;
	s6 =	sadd.s32 @!p0 $0x88, s6;
	s7 =	simm.s32 @p2 $0x1082  }
0x22: {  	[simem:s7], [sflag:s8] =	dma.local @!p0 [hbm:s6], $0xF7A  }
0x23: {  	s9 =	sor.u32 $0xD0000000, s2;
	s6 =	simm.s32 $0x108;
	_ =	swait.ge @!p0 [sflag:s8], $0x0  }
0x24: {  	s3 =	sadd.s32 $0x88, s3;
	s6 =	simm.s32 @!p1 $0x1082;
	[sflag:s4] =	ssyncset.s32 $0xFFFFF086  }
0x25: {  	[simem:s6], [sflag:s4] =	dma.local [hbm:s3], $0xF7A  }
0x26: {  	[smem:$0x3F97] =	sst s1;
	(tag) =	ssettag s2;
	_ =	strace s9  }
0x27: {  	s1 =	sld [smem:$0x3FA7]  }
0x28: {  	s2 =	sld [smem:$0x3FA8]  }
0x29: {  	s4 =	sld [smem:$0x3FAA]  }
0x2a: {  	p0 =	seq.s32 s5, $0x0;
	s5 =	sld [smem:$0x3FAB]  }
0x2b: {  	s6 =	sld [smem:$0x3FAC]  }
0x2c: {  	s7 =	sld [smem:$0x3FAD]  }
0x2d: {  	s3 =	simm.s32 $0x108;
	s8 =	sld [smem:$0x3FAE]  }
0x2e: {  	s3 =	simm.s32 @!p0 $0x1082;
	s9 =	sld [smem:$0x3FAF]  }
0x2f: {  	lr =	sadd.s32 s0, s3;
	s0 =	sld [smem:$0x3FA6]  }
0x30: {  	s3 =	sld [smem:$0x3FA9]  }
0x31: {  	[smem:$0x3FB2] =	sst s10  }
0x32: {  	s10 =	sld [smem:$0x3FB0];
	_ =	sdelay $0x3  }
0x33: {  	p0 =	seq.s32 s10, $0x1;
	s10 =	sld [smem:$0x3FB2];
	_ =	sdelay $0x3  }
0x34: {  	[smem:$0x3FB2] =	sst s10  }
0x35: {  	s10 =	sld [smem:$0x3FB1];
	_ =	sdelay $0x3  }
0x36: {  	p1 =	seq.s32 s10, $0x1;
	s10 =	sld [smem:$0x3FB2];
	_ =	sdelay $0x3  }
0x37: {  	[smem:$0x3FB2] =	sst s10  }
0x38: {  	s10 =	sld [smem:$0x3FB3]  }
0x39: {  	_ = 	snop;
	(pc) =	sbr.ind lr, $3  }
0x3a: {  	_ = 	snop  }
0x3b: {  	_ = 	snop  }
0x3c: {  	p2 =	seq.s32 s10, $0x1;
	s10 =	sld [smem:$0x3FB2]  }
0x3d: {  	_ =	shalt  }
0x3e: {  	_ =	shalt  }
0x3f: {  	_ =	shalt  }
0x40: {  	_ =	shalt  }
0x41: {  	_ =	shalt  }
0x42: {  	_ =	shalt  }
0x43: {  	_ =	shalt  }
0x44: {  	_ =	shalt  }
0x45: {  	_ =	shalt  }
0x46: {  	_ =	shalt  }
0x47: {  	_ =	shalt  }
0x48: {  	_ =	shalt  }
0x49: {  	_ =	shalt  }
0x4a: {  	_ =	shalt  }
0x4b: {  	_ =	shalt  }
0x4c: {  	_ =	shalt  }
0x4d: {  	_ =	shalt  }
0x4e: {  	_ =	shalt  }
0x4f: {  	_ =	shalt  }
0x50: {  	_ =	shalt  }
0x51: {  	_ =	shalt  }
0x52: {  	_ =	shalt  }
0x53: {  	_ =	shalt  }
0x54: {  	_ =	shalt  }
0x55: {  	_ =	shalt  }
0x56: {  	_ =	shalt  }
0x57: {  	_ =	shalt  }
0x58: {  	_ =	shalt  }
0x59: {  	_ =	shalt  }
0x5a: {  	_ =	shalt  }
0x5b: {  	_ =	shalt  }
0x5c: {  	_ =	shalt  }
0x5d: {  	_ =	shalt  }
0x5e: {  	_ =	shalt  }
0x5f: {  	_ =	shalt  }
0x60: {  	_ =	shalt  }
0x61: {  	_ =	shalt  }
0x62: {  	_ =	shalt  }
0x63: {  	_ =	shalt  }
0x64: {  	_ =	shalt  }
0x65: {  	_ =	shalt  }
0x66: {  	_ =	shalt  }
0x67: {  	_ =	shalt  }
0x68: {  	_ =	shalt  }
0x69: {  	_ =	shalt  }
0x6a: {  	_ =	shalt  }
0x6b: {  	_ =	shalt  }
0x6c: {  	_ =	shalt  }
0x6d: {  	_ =	shalt  }
0x6e: {  	_ =	shalt  }
0x6f: {  	_ =	shalt  }
0x70: {  	_ =	shalt  }
0x71: {  	_ =	shalt  }
0x72: {  	_ =	shalt  }
0x73: {  	_ =	shalt  }
0x74: {  	_ =	shalt  }
0x75: {  	_ =	shalt  }
0x76: {  	_ =	shalt  }
0x77: {  	_ =	shalt  }
0x78: {  	_ =	shalt  }
0x79: {  	_ =	shalt  }
0x7a: {  	_ =	shalt  }
0x7b: {  	_ =	shalt  }
0x7c: {  	_ =	shalt  }
0x7d: {  	_ =	shalt  }
0x7e: {  	_ =	shalt  }
0x7f: {  	_ =	shalt  }
0x80: {  	_ =	shalt  }
0x81: {  	_ =	shalt  }
0x82: {  	_ =	shalt  }
0x83: {  	_ =	shalt  }
0x84: {  	_ =	shalt  }
0x85: {  	_ =	shalt  }
0x86: {  	_ =	shalt  }
0x87: {  	_ =	shalt  }
.Lfunc_end0:
.L_simem_size_0:
called_computation.2_lowered:
.L_overlay_start_0:
0x88: {  	s2 =	sld [smem:$0x3FD9]  }
0x89: {  	s3 =	sld [smem:$0x3FFE];
	_ =	sdelay $0x1  }
0x8a: {  	s1 =	srdreg.scid  }
0x8b: {  	s0 =	sand.u32 $0x1, s1  }
0x8c: {  	s17 =	sshll.u32 s0, $0xA;
	s2 =	sadd.s32 s3, s2  }
0x8d: {  	s2 =	sadd.s32 s2, s17  }
0x8e: {  	[smem:$0x3FBE] =	sst s2  }
0x8f: {  	_ = 	snop  }
0x90: {  	s2 =	sld [smem:$0x3FD0];
	(tm) =	ssettm $0x1  }
0x91: {  	s18 =	sld [smem:$0x3FFB];
	_ =	sdelay $0x3  }
0x92: {  	_ =	strace s18  }
0x93: {  	s3 =	sld [smem:$0x3FFC];
	_ =	sdelay $0x3  }
0x94: {  	_ =	strace s3  }
0x95: {  	s3 =	sld [smem:$0x3FFD];
	_ =	sdelay $0x3  }
0x96: {  	_ =	strace s3  }
0x97: {  	_ =	strace $0x8FFFFFFF  }
0x98: {  	s19 =	sld [smem:$0x3FDB];
	_ =	sdelay $0x1  }
0x99: {  	s4 =	simm.s32 $_scs_section_size  }
0x9a: {  	s5 =	simm.s32 $_size__tile_overlayer_lowered;
	s6 =	simm.s32 $_tile_overlayer_lowered  }
0x9b: {  	s22 =	simm.s32 $0x1BFF;
	s21 =	sshll.u32 s6, $0x1;
	s3 =	sadd.s32 s4, s19  }
0x9c: {  	s7 =	simm.s32 $0x0;
	s20 =	sshll.u32 s5, $0x1;
	s5 =	sadd.s32 s21, s3  }
0x9d: {  	[timem:s7], [sflag:s22] =	dma.local [hbm:s5], s20  }
0x9e: {  	_ =	swait.ge [sflag:s22], s20  }
0x9f: {  	s4 =	ssub.s32 $0x0, s20;
	[sflag:s22] =	ssyncset.done $0x0  }
0xa0: {  	[sflag:s22] =	ssyncadd.s32 s4;
	_ =	sdelay $0x1  }
0xa1: {  	s23 =	simm.s32 $0x1B8B  }
0xa2: {  	_ =	swait.ge [sflag:s23], $0x1  }
0xa3: {  	[sflag:s23] =	ssyncset.done $0x0  }
0xa4: {  	s25 =	simm.s32 $0x1B8E;
	s24 =	sld [smem:$0x3FFE];
	[sflag:s23] =	ssyncadd.s32 $0xFFFFFFFF  }
0xa5: {  	s26 =	simm.s32 $execute0_lowered;
	[smem:$0x3FD2] =	sst s25  }
0xa6: {  	s5 =	sshll.u32 s26, $0x1;
	_ =	strace $0x8000004C;
	[dreg:$0x1] =	wrdreg $0xFFFFFFFF  }
0xa7: {  	s28 =	simm.s32 $_size_execute0_lowered;
	s3 =	sadd.s32 s3, s5;
	[dreg:$0x0] =	wrdreg $0x0  }
0xa8: {  	s5 =	sshll.u32 s28, $0x1;
	[dreg:$0x2] =	wrdreg s3  }
0xa9: {  	[dreg:$0x3] =	wrdreg s5  }
0xaa: {  	[dreg:$0x4] =	wrdreg $0xC0  }
0xab: {  	_ =	task [dreg:s7], $0x5FFFF  }
0xac: {  	[dreg:$0x1] =	wrdreg $0xFFFFFFFF  }
0xad: {  	[dreg:$0x0] =	wrdreg $0x60  }
0xae: {  	[dreg:$0x2] =	wrdreg s2  }
0xaf: {  	[dreg:$0x3] =	wrdreg s24  }
0xb0: {  	[dreg:$0x4] =	wrdreg $0xA8000  }
0xb1: {  	[dreg:$0x5] =	wrdreg $0x9  }
0xb2: {  	_ =	task.clear_ibuf [dreg:s7], $0x6FFFF;
	_ =	strace $0x9000004C  }
0xb3: {  	s29 =	simm.s32 $0x9;
	_ =	strace $0x8000004E  }
0xb4: {  	_ =	swait.ge [sflag:s29], $0x1  }
0xb5: {  	[sflag:s29] =	ssyncadd.s32 $0xFFFFFFFF  }
0xb6: {  	_ =	strace $0x9000004E  }
0xb7: {  	_ =	sfence  }
0xb8: {  	s30 =	sld [smem:$0x0];
	_ =	sdelay $0x2  }
0xb9: {  	s31 =	sshll.u32 s1, $0xD;
	s1 =	sshrl.u32 s1, $0x2  }
0xba: {  	s3 =	sand.u32 $0x4000, s31;
	s1 =	sadd.s32 s1, s30  }
0xbb: {  	s0 =	sor.u32 s3, s0;
	s1 =	sshll.u32 s1, $0x11  }
0xbc: {  	s0 =	sor.u32 s1, s0  }
0xbd: {  	s0 =	sadd.s32 $0x8F2B, s0  }
0xbe: {  	[sflag:s0] =	ssyncadd.remote.s32 $0x1  }
0xbf: {  	_ =	sfence.sel $0xFFFF  }
0xc0: {  	[dreg:$0x0] =	wrdreg $0xFFFFFFFF;
	(pc) =	sbr.abs _section_cstart, $3  }
0xc1: {  	[dreg:$0x1] =	wrdreg $0xFFFFFFFF  }
0xc2: {  	_ =	task.clear_ibuf [dreg:s7], $0x2FFFF;
	_ =	strace $0x9FFFFFFF  }
0xc3: {  	(tm) =	ssettm $0x7FFFFFFF  }
tec
execute0_lowered:
.L_overlay_start_1:
0x0: {  	(tag) =	ssettag $0x1  }
0x1: {  	s1 =	rddreg [dreg:$0x0]  }
0x2: {  	s6 =	rddreg [dreg:$0x1]  }
0x3: {  	s2 =	rddreg [dreg:$0x2];
	s3 =	srdreg.scid  }
0x4: {  	s0 =	rddreg [dreg:$0x3];
	s4 =	simm.s32 $0x0;
	s15 =	simm.s32 $0x1400  }
0x5: {  	s16 =	simm.s32 $0x7D;
	s17 =	simm.s32 $0x2800;
	s18 =	simm.s32 $0x6800  }
0x6: {  	s19 =	simm.s32 $0x1;
	s20 =	simm.s32 $0x2;
	s21 =	simm.s32 $0x1380  }
0x7: {  	s22 =	simm.s32 $0x2700;
	s5 =	sand.u32 $0x1, s3;
	s3 =	stileid.u32  }
0x8: {  	s23 =	simm.s32 $0x2780;
	[smem:$0x7FF] =	sst s4;
	s7 =	smul.u32 $0x140000, s5  }
0x9: {  	s9 =	sadd.s32 $0x5FA00, s6;
	s10 =	sadd.s32 $0x3200, s6;
	s8 =	smul.u32 $0x14000, s3  }
0xa: {  	_ =	strace $0x8000004D;
	s24 =	sshll.u32 s3, $0x1;
	s11 =	ssub.s32 $0x2, s5  }
0xb: {  	s25 =	smul.u32 $0x50000, s3;
	s28 =	sshll.u32 s3, $0x6;
	s5 =	sor.u32 s5, s24  }
0xc: {  	s12 =	sshrl.u32 s11, $0x1;
	s24 =	simm.s32 $0x0;
	s7 =	sadd.s32 s8, s7  }
0xd: {  	s13 =	smul.u32 $0x2800, s5;
	s5 =	sadd.s32 $0xD200, s6;
	s26 =	sshrl.u32 s25, $0x2  }
0xe: {  	s12 =	ssub.s32 s11, s12;
	s7 =	sshrl.u32 s7, $0x3;
	s30 =	sadd.s32 s26, s2  }
0xf: {  	s12 =	smax.u32 s12, $0x1;
	s14 =	sadd.s32 s7, s6;
	s29 =	sshrl.u32 s13, $0x3  }
0x10: {  	s6 =	sor.u32 $0x1C03, s28;
	s13 =	sshrl.u32 s30, $0x3;
	s31 =	sadd.s32 $0x280, s29  }
0x11: {  	s7 =	sadd.s32 s9, s29;
	s8 =	sadd.s32 s10, s29;
	s11 =	sadd.s32 $0xFA00, s14  }
0x12: {  	s14 =	simm.s32 $0x3;
	s9 =	sadd.s32 s9, s31;
	s10 =	sadd.s32 s10, s31  }
.LBB2_1:
0x13: {  	[spmem:s13], [sflag:s6] =	dma.local [hbm:s5], $0x2800  }
0x14: {  	_ =	swait.ge [sflag:s14], $0x2800  }
0x15: {  	[sflag:s14] =	ssyncset.done $0x0  }
0x16: {  	[sflag:s14] =	ssyncadd.s32 $0xFFFFD800  }
0x17: {  	[bflag:$0x0] =	sbarrier.arrive $0xFFFF  }
0x18: {  	[tilespmem:s4], [sflag:$0x3] =	stream.linear.gather [hbm4b:s7+s4], $0x1400, $0x38;
	[tilespmem:$0x1E800] =	vst v63  }
0x19: {  	_ =	swait.ge [sflag:s14], $0x1400  }
0x1a: {  	[sflag:s14] =	ssyncset.done $0x0  }
0x1b: {  	[sflag:s14] =	ssyncadd.s32 $0xFFFFEC00  }
0x1c: {  	[tilespmem:s15], [sflag:$0x3] =	stream.linear.gather [hbm4b:s8+s4], $0x1400, $0x38;
	[tilespmem:$0x1E800] =	vst v63  }
0x1d: {  	_ =	swait.ge [sflag:s14], $0x1400  }
0x1e: {  	[sflag:s14] =	ssyncset.done $0x0  }
0x1f: {  	[sflag:s14] =	ssyncadd.s32 $0xFFFFEC00  }
0x20: {  	[tilespmem:s17], [sflag:$0x1] =	stream.indirect.gather [hbm4b:s1+s16], $0x80, s4, s16, $0xb8;
	[tilespmem:$0x1E800] =	vst v63  }
0x21: {  	s25 =	simm.s32 $0x80  }
0x22: {  	[tilespmem:s18], [sflag:$0x2] =	stream.indirect.gather [hbm4b:s1+s16], $0x80, s25, s16, $0xb8;
	[tilespmem:$0x1E800] =	vst v63  }
0x23: {  	_ =	swait.ge [sflag:s19], $0x3E80  }
0x24: {  	[sflag:s19] =	ssyncset.done $0x0  }
0x25: {  	s29 =	simm.s32 $0x1400;
	[sflag:s19] =	ssyncadd.s32 $0xFFFFC180  }
0x26: {  	[spmem:s2] =	stream.indirect.scatter.add.f32 [tilespmem:s17], [sflag:$0x3], $0x80, s29, s16, $0xb8;
	[tilespmem:$0x1E800] =	vst v63  }
0x27: {  	_ =	swait.ge [sflag:s14], $0x3E80  }
0x28: {  	[sflag:s14] =	ssyncset.done $0x0  }
0x29: {  	s30 =	simm.s32 $0x100;
	[sflag:s14] =	ssyncadd.s32 $0xFFFFC180  }
0x2a: {  	[tilespmem:s17], [sflag:$0x1] =	stream.indirect.gather [hbm4b:s1+s16], $0x80, s30, s16, $0xb8;
	[tilespmem:$0x1E800] =	vst v63  }
0x2b: {  	_ =	swait.ge [sflag:s20], $0x3E80  }
0x2c: {  	[sflag:s20] =	ssyncset.done $0x0  }
0x2d: {  	s31 =	simm.s32 $0x1480;
	[sflag:s20] =	ssyncadd.s32 $0xFFFFC180  }
0x2e: {  	[spmem:s2] =	stream.indirect.scatter.add.f32 [tilespmem:s18], [sflag:$0x3], $0x80, s31, s16, $0xb8;
	[tilespmem:$0x1E800] =	vst v63  }
0x2f: {  	_ =	swait.ge [sflag:s14], $0x3E80  }
0x30: {  	s26 =	simm.s32 $0x800;
	s25 =	simm.s32 $0x100;
	[sflag:s14] =	ssyncset.done $0x0  }
.LBB2_2:
0x31: {  	s28 =	sadd.s32 $0x80, s25  }
0x32: {  	[sflag:s14] =	ssyncadd.s32 $0xFFFFC180;
	s29 =	smov.u32 s26;
	s30 =	sadd.s32 $0x400, s26  }
0x33: {  	[tilespmem:s18], [sflag:$0x2] =	stream.indirect.gather [hbm4b:s1+s16], $0x80, s28, s16, $0xb8;
	[tilespmem:$0x1E800] =	vst v63  }
0x34: {  	p0 =	sne.s32 s26, $0x4800;
	_ =	swait.ge [sflag:s19], $0x3E80  }
0x35: {  	[sflag:s19] =	ssyncset.done $0x0  }
0x36: {  	s26 =	sadd.s32 $0x1400, s25;
	[sflag:s19] =	ssyncadd.s32 $0xFFFFC180  }
0x37: {  	[spmem:s2] =	stream.indirect.scatter.add.f32 [tilespmem:s17], [sflag:$0x3], $0x80, s26, s16, $0xb8;
	[tilespmem:$0x1E800] =	vst v63  }
0x38: {  	_ =	swait.ge [sflag:s14], $0x3E80  }
0x39: {  	[sflag:s14] =	ssyncset.done $0x0  }
0x3a: {  	s26 =	sadd.s32 $0x100, s25;
	[sflag:s14] =	ssyncadd.s32 $0xFFFFC180  }
0x3b: {  	[tilespmem:s17], [sflag:$0x1] =	stream.indirect.gather [hbm4b:s1+s16], $0x80, s26, s16, $0xb8;
	[tilespmem:$0x1E800] =	vst v63  }
0x3c: {  	_ =	swait.ge [sflag:s20], $0x3E80  }
.Ltmp0:
0x3d: {  	[sflag:s20] =	ssyncset.done $0x0;
	(pc) =	sbr.rel @p0 .LBB2_2-.Ltmp0, $4  }
0x3e: {  	s25 =	sadd.s32 $0x1480, s25;
	[sflag:s20] =	ssyncadd.s32 $0xFFFFC180  }
0x3f: {  	[spmem:s2] =	stream.indirect.scatter.add.f32 [tilespmem:s18], [sflag:$0x3], $0x80, s25, s16, $0xb8;
	[tilespmem:$0x1E800] =	vst v63  }
0x40: {  	_ =	swait.ge [sflag:s14], $0x3E80  }
0x41: {  	s26 =	smov.u32 s30;
	s25 =	sshra.s32 s29, $0x2;
	[sflag:s14] =	ssyncset.done $0x0  }
0x42: {  	s26 =	sadd.s32 $0x80, s25;
	[sflag:s14] =	ssyncadd.s32 $0xFFFFC180  }
0x43: {  	[tilespmem:s18], [sflag:$0x2] =	stream.indirect.gather [hbm4b:s1+s16], $0x80, s26, s16, $0xb8;
	[tilespmem:$0x1E800] =	vst v63  }
0x44: {  	_ =	swait.ge [sflag:s19], $0x3E80  }
0x45: {  	[sflag:s19] =	ssyncset.done $0x0  }
0x46: {  	s29 =	sadd.s32 $0x1400, s25;
	[sflag:s19] =	ssyncadd.s32 $0xFFFFC180  }
0x47: {  	[spmem:s2] =	stream.indirect.scatter.add.f32 [tilespmem:s17], [sflag:$0x3], $0x80, s29, s16, $0xb8;
	[tilespmem:$0x1E800] =	vst v63  }
0x48: {  	_ =	swait.ge [sflag:s14], $0x3E80  }
0x49: {  	[sflag:s14] =	ssyncset.done $0x0  }
0x4a: {  	s30 =	sadd.s32 $0x100, s25;
	[sflag:s14] =	ssyncadd.s32 $0xFFFFC180  }
0x4b: {  	[tilespmem:s17], [sflag:$0x1] =	stream.indirect.gather [hbm4b:s1+s16], $0x80, s30, s16, $0xb8;
	[tilespmem:$0x1E800] =	vst v63  }
0x4c: {  	_ =	swait.ge [sflag:s20], $0x3E80  }
0x4d: {  	[sflag:s20] =	ssyncset.done $0x0  }
0x4e: {  	s31 =	sadd.s32 $0x1480, s25;
	[sflag:s20] =	ssyncadd.s32 $0xFFFFC180  }
0x4f: {  	[spmem:s2] =	stream.indirect.scatter.add.f32 [tilespmem:s18], [sflag:$0x3], $0x80, s31, s16, $0xb8;
	[tilespmem:$0x1E800] =	vst v63  }
0x50: {  	_ =	swait.ge [sflag:s14], $0x3E80  }
0x51: {  	[sflag:s14] =	ssyncset.done $0x0  }
0x52: {  	[sflag:s14] =	ssyncadd.s32 $0xFFFFC180  }
0x53: {  	[tilespmem:s18], [sflag:$0x2] =	stream.indirect.gather [hbm4b:s1+s16], $0x80, s21, s16, $0xb8;
	[tilespmem:$0x1E800] =	vst v63  }
0x54: {  	_ =	swait.ge [sflag:s19], $0x3E80  }
0x55: {  	[sflag:s19] =	ssyncset.done $0x0  }
0x56: {  	[sflag:s19] =	ssyncadd.s32 $0xFFFFC180  }
0x57: {  	[spmem:s2] =	stream.indirect.scatter.add.f32 [tilespmem:s17], [sflag:$0x3], $0x80, s22, s16, $0xb8;
	[tilespmem:$0x1E800] =	vst v63  }
0x58: {  	_ =	swait.ge [sflag:s14], $0x3E80  }
0x59: {  	[sflag:s14] =	ssyncset.done $0x0  }
0x5a: {  	[sflag:s14] =	ssyncadd.s32 $0xFFFFC180  }
0x5b: {  	_ =	swait.ge [sflag:s20], $0x3E80  }
0x5c: {  	[sflag:s20] =	ssyncset.done $0x0  }
0x5d: {  	[sflag:s20] =	ssyncadd.s32 $0xFFFFC180  }
0x5e: {  	[spmem:s2] =	stream.indirect.scatter.add.f32 [tilespmem:s18], [sflag:$0x3], $0x80, s23, s16, $0xb8;
	[tilespmem:$0x1E800] =	vst v63  }
0x5f: {  	_ =	swait.ge [sflag:s14], $0x3E80  }
0x60: {  	[sflag:s14] =	ssyncset.done $0x0  }
0x61: {  	s26 =	simm.s32 $0x0;
	[sflag:s14] =	ssyncadd.s32 $0xFFFFC180  }
0x62: {  	[tilespmem:s26], [sflag:$0x3] =	stream.linear.gather [hbm4b:s9+s26], $0x1400, $0x38;
	[tilespmem:$0x1E800] =	vst v63  }
0x63: {  	_ =	swait.ge [sflag:s14], $0x1400  }
0x64: {  	[sflag:s14] =	ssyncset.done $0x0  }
0x65: {  	[sflag:s14] =	ssyncadd.s32 $0xFFFFEC00  }
0x66: {  	[tilespmem:s15], [sflag:$0x3] =	stream.linear.gather [hbm4b:s10+s26], $0x1400, $0x38;
	[tilespmem:$0x1E800] =	vst v63  }
0x67: {  	_ =	swait.ge [sflag:s14], $0x1400  }
0x68: {  	[sflag:s14] =	ssyncset.done $0x0  }
0x69: {  	[sflag:s14] =	ssyncadd.s32 $0xFFFFEC00  }
0x6a: {  	[tilespmem:s17], [sflag:$0x1] =	stream.indirect.gather [hbm4b:s1+s16], $0x80, s26, s16, $0xb8;
	[tilespmem:$0x1E800] =	vst v63  }
0x6b: {  	s28 =	simm.s32 $0x80  }
0x6c: {  	[tilespmem:s18], [sflag:$0x2] =	stream.indirect.gather [hbm4b:s1+s16], $0x80, s28, s16, $0xb8;
	[tilespmem:$0x1E800] =	vst v63  }
0x6d: {  	_ =	swait.ge [sflag:s19], $0x3E80  }
0x6e: {  	[sflag:s19] =	ssyncset.done $0x0  }
0x6f: {  	s29 =	simm.s32 $0x1400;
	[sflag:s19] =	ssyncadd.s32 $0xFFFFC180  }
0x70: {  	[spmem:s2] =	stream.indirect.scatter.add.f32 [tilespmem:s17], [sflag:$0x3], $0x80, s29, s16, $0xb8;
	[tilespmem:$0x1E800] =	vst v63  }
0x71: {  	_ =	swait.ge [sflag:s14], $0x3E80  }
0x72: {  	[sflag:s14] =	ssyncset.done $0x0  }
0x73: {  	s30 =	simm.s32 $0x100;
	[sflag:s14] =	ssyncadd.s32 $0xFFFFC180  }
0x74: {  	[tilespmem:s17], [sflag:$0x1] =	stream.indirect.gather [hbm4b:s1+s16], $0x80, s30, s16, $0xb8;
	[tilespmem:$0x1E800] =	vst v63  }
0x75: {  	_ =	swait.ge [sflag:s20], $0x3E80  }
0x76: {  	[sflag:s20] =	ssyncset.done $0x0  }
0x77: {  	s31 =	simm.s32 $0x1480;
	[sflag:s20] =	ssyncadd.s32 $0xFFFFC180  }
0x78: {  	[spmem:s2] =	stream.indirect.scatter.add.f32 [tilespmem:s18], [sflag:$0x3], $0x80, s31, s16, $0xb8;
	[tilespmem:$0x1E800] =	vst v63  }
0x79: {  	_ =	swait.ge [sflag:s14], $0x3E80  }
0x7a: {  	s25 =	simm.s32 $0x100;
	s26 =	simm.s32 $0x800;
	[sflag:s14] =	ssyncset.done $0x0  }
.LBB2_4:
0x7b: {  	s28 =	sadd.s32 $0x80, s25  }
0x7c: {  	[sflag:s14] =	ssyncadd.s32 $0xFFFFC180;
	s29 =	smov.u32 s26;
	s30 =	sadd.s32 $0x400, s26  }
0x7d: {  	[tilespmem:s18], [sflag:$0x2] =	stream.indirect.gather [hbm4b:s1+s16], $0x80, s28, s16, $0xb8;
	[tilespmem:$0x1E800] =	vst v63  }
0x7e: {  	p0 =	sne.s32 s26, $0x4800;
	_ =	swait.ge [sflag:s19], $0x3E80  }
0x7f: {  	[sflag:s19] =	ssyncset.done $0x0  }
0x80: {  	s26 =	sadd.s32 $0x1400, s25;
	[sflag:s19] =	ssyncadd.s32 $0xFFFFC180  }
0x81: {  	[spmem:s2] =	stream.indirect.scatter.add.f32 [tilespmem:s17], [sflag:$0x3], $0x80, s26, s16, $0xb8;
	[tilespmem:$0x1E800] =	vst v63  }
0x82: {  	_ =	swait.ge [sflag:s14], $0x3E80  }
0x83: {  	[sflag:s14] =	ssyncset.done $0x0  }
0x84: {  	s26 =	sadd.s32 $0x100, s25;
	[sflag:s14] =	ssyncadd.s32 $0xFFFFC180  }
0x85: {  	[tilespmem:s17], [sflag:$0x1] =	stream.indirect.gather [hbm4b:s1+s16], $0x80, s26, s16, $0xb8;
	[tilespmem:$0x1E800] =	vst v63  }
0x86: {  	_ =	swait.ge [sflag:s20], $0x3E80  }
.Ltmp1:
0x87: {  	[sflag:s20] =	ssyncset.done $0x0;
	(pc) =	sbr.rel @p0 .LBB2_4-.Ltmp1, $4  }
0x88: {  	s25 =	sadd.s32 $0x1480, s25;
	[sflag:s20] =	ssyncadd.s32 $0xFFFFC180  }
0x89: {  	[spmem:s2] =	stream.indirect.scatter.add.f32 [tilespmem:s18], [sflag:$0x3], $0x80, s25, s16, $0xb8;
	[tilespmem:$0x1E800] =	vst v63  }
0x8a: {  	_ =	swait.ge [sflag:s14], $0x3E80  }
0x8b: {  	s26 =	smov.u32 s30;
	s25 =	sshra.s32 s29, $0x2;
	[sflag:s14] =	ssyncset.done $0x0  }
0x8c: {  	s26 =	sadd.s32 $0x80, s25;
	[sflag:s14] =	ssyncadd.s32 $0xFFFFC180  }
0x8d: {  	[tilespmem:s18], [sflag:$0x2] =	stream.indirect.gather [hbm4b:s1+s16], $0x80, s26, s16, $0xb8;
	[tilespmem:$0x1E800] =	vst v63  }
0x8e: {  	_ =	swait.ge [sflag:s19], $0x3E80  }
0x8f: {  	[sflag:s19] =	ssyncset.done $0x0  }
0x90: {  	s29 =	sadd.s32 $0x1400, s25;
	[sflag:s19] =	ssyncadd.s32 $0xFFFFC180  }
0x91: {  	[spmem:s2] =	stream.indirect.scatter.add.f32 [tilespmem:s17], [sflag:$0x3], $0x80, s29, s16, $0xb8;
	[tilespmem:$0x1E800] =	vst v63  }
0x92: {  	_ =	swait.ge [sflag:s14], $0x3E80  }
0x93: {  	[sflag:s14] =	ssyncset.done $0x0  }
0x94: {  	s30 =	sadd.s32 $0x100, s25;
	[sflag:s14] =	ssyncadd.s32 $0xFFFFC180  }
0x95: {  	[tilespmem:s17], [sflag:$0x1] =	stream.indirect.gather [hbm4b:s1+s16], $0x80, s30, s16, $0xb8;
	[tilespmem:$0x1E800] =	vst v63  }
0x96: {  	_ =	swait.ge [sflag:s20], $0x3E80  }
0x97: {  	[sflag:s20] =	ssyncset.done $0x0  }
0x98: {  	s31 =	sadd.s32 $0x1480, s25;
	[sflag:s20] =	ssyncadd.s32 $0xFFFFC180  }
0x99: {  	[spmem:s2] =	stream.indirect.scatter.add.f32 [tilespmem:s18], [sflag:$0x3], $0x80, s31, s16, $0xb8;
	[tilespmem:$0x1E800] =	vst v63  }
0x9a: {  	_ =	swait.ge [sflag:s14], $0x3E80  }
0x9b: {  	[sflag:s14] =	ssyncset.done $0x0  }
0x9c: {  	[sflag:s14] =	ssyncadd.s32 $0xFFFFC180  }
0x9d: {  	[tilespmem:s18], [sflag:$0x2] =	stream.indirect.gather [hbm4b:s1+s16], $0x80, s21, s16, $0xb8;
	[tilespmem:$0x1E800] =	vst v63  }
0x9e: {  	_ =	swait.ge [sflag:s19], $0x3E80  }
0x9f: {  	[sflag:s19] =	ssyncset.done $0x0  }
0xa0: {  	[sflag:s19] =	ssyncadd.s32 $0xFFFFC180  }
0xa1: {  	[spmem:s2] =	stream.indirect.scatter.add.f32 [tilespmem:s17], [sflag:$0x3], $0x80, s22, s16, $0xb8;
	[tilespmem:$0x1E800] =	vst v63  }
0xa2: {  	_ =	swait.ge [sflag:s14], $0x3E80  }
0xa3: {  	[sflag:s14] =	ssyncset.done $0x0  }
0xa4: {  	[sflag:s14] =	ssyncadd.s32 $0xFFFFC180  }
0xa5: {  	_ =	swait.ge [sflag:s20], $0x3E80  }
0xa6: {  	[sflag:s20] =	ssyncset.done $0x0  }
0xa7: {  	[sflag:s20] =	ssyncadd.s32 $0xFFFFC180  }
0xa8: {  	[spmem:s2] =	stream.indirect.scatter.add.f32 [tilespmem:s18], [sflag:$0x3], $0x80, s23, s16, $0xb8;
	[tilespmem:$0x1E800] =	vst v63  }
0xa9: {  	_ =	swait.ge [sflag:s14], $0x3E80  }
0xaa: {  	s24 =	sadd.s32 $0x1, s24;
	[sflag:s14] =	ssyncset.done $0x0  }
0xab: {  	p0 =	sne.s32 s24, s12;
	[sflag:s14] =	ssyncadd.s32 $0xFFFFC180  }
.Ltmp2:
0xac: {  	[bflag:$0x0] =	sbarrier.arrive $0xFFFF;
	(pc) =	sbr.rel @p0 .LBB2_1-.Ltmp2, $4  }
0xad: {  	[hbm:s11], [sflag:s6] =	dma.local [spmem:s13], $0x2800  }
0xae: {  	_ =	swait.ge [sflag:s14], $0x2800  }
0xaf: {  	[sflag:s14] =	ssyncset.done $0x0  }
0xb0: {  	[sflag:s14] =	ssyncadd.s32 $0xFFFFD800  }
0xb1: {  	_ =	sfence.sel $0x180000  }
0xb2: {  	[bflag:$0x0] =	sbarrier.arrive $0xFFFF  }
0xb3: {  	p0 =	sne.s32 s3, $0x0;
	_ =	strace $0x9000004D  }
0xb4: {  	s0 =	sadd.s32 @!p0 $0x100000, s0;
	[bflag:$0x2] =	sbarrier.arrive $0xFFFF  }
0xb5: {  	[sflag:s0] =	ssyncadd.tile.s32 @!p0 $0x1;
	_ =	shalt  }
.Lfunc_end2:
_tile_overlayer_lowered:
.L_overlay_start_2:
0xb6: {  	(tag) =	ssettag $0x2  }
0xb7: {  	s0 =	rddreg [dreg:$0x0];
	s2 =	stileid.u32  }
0xb8: {  	s1 =	rddreg [dreg:$0x1];
	p0 =	sne.s32 s2, $0x0  }
0xb9: {  	s3 =	rddreg [dreg:$0x2];
	[bflag:$0x3] =	sbarrier.arrive $0xFFFF;
	s2 =	simm.s32 @!p0 $0x1C03  }
0xba: {  	[timem:s3], [sflag:s2] =	dma.local @!p0 [hbm:s0], s1  }
0xbb: {  	s0 =	simm.s32 @!p0 $0x3  }
0xbc: {  	_ =	swait.ge @!p0 [sflag:s0], s1  }
0xbd: {  	s1 =	ssub.s32 @!p0 $0x0, s1;
	[sflag:s0] =	ssyncset.done @!p0 $0x0  }
0xbe: {  	[sflag:s0] =	ssyncadd.s32 @!p0 s1  }
0xbf: {  	[bflag:$0x3] =	sbarrier.arrive $0xFFFF  }
0xc0: {  	_ =	shalt  }

// kernel: kernel.9.cloned.1.call-start
scs
__scs_entry_jumppad:
0x0: {  	(pc) =	sbr.rel $0x88, $3  }
0x1: {  	(tag) =	ssettag $0x0;
	lr =	simm.s32 $0x1  }
0x2: {  	[smem:$0x3F97] =	sst lr;
	_ =	strace $0xD0000000  }
0x3: {  	_ = 	snop  }
0x4: {  	_ = 	snop  }
0x5: {  	_ = 	snop  }
0x6: {  	_ = 	snop  }
0x7: {  	_ = 	snop  }
__scs_overlays_trampoline_lowered:
0x8: {  	[smem:$0x3FA6] =	sst s0  }
0x9: {  	[smem:$0x3FA7] =	sst s1  }
0xa: {  	[smem:$0x3FA8] =	sst s2  }
0xb: {  	[smem:$0x3FA9] =	sst s3  }
0xc: {  	[smem:$0x3FAA] =	sst s4  }
0xd: {  	[smem:$0x3FAB] =	sst s5  }
0xe: {  	[smem:$0x3FAC] =	sst s6  }
0xf: {  	[smem:$0x3FAD] =	sst s7  }
0x10: {  	[smem:$0x3FAE] =	sst s8  }
0x11: {  	[smem:$0x3FAF] =	sst s9;
	s0 =	simm.s32 @!p0 $0x0  }
0x12: {  	s1 =	sld [smem:$0x3F95];
	s0 =	simm.s32 @p0 $0x1  }
0x13: {  	[smem:$0x3FB0] =	sst s0;
	s0 =	simm.s32 @!p1 $0x0  }
0x14: {  	s2 =	sld [smem:$0x3F94];
	s0 =	simm.s32 @p1 $0x1  }
0x15: {  	[smem:$0x3FB1] =	sst s0;
	s0 =	simm.s32 @!p2 $0x0  }
0x16: {  	s3 =	sld [smem:$0x3FDB];
	s0 =	simm.s32 @p2 $0x1  }
0x17: {  	s4 =	simm.s32 $0x1BF5;
	[smem:$0x3FB3] =	sst s0  }
0x18: {  	s0 =	sld [smem:$0x3F96];
	_ =	swait.ge [sflag:s4], $0x0  }
0x19: {  	s7 =	sld [smem:$0x3F97]  }
0x1a: {  	s8 =	sadd.s32 $0xFFFFE003, lr  }
0x1b: {  	s9 =	sadd.s32 $0xFFFFFEF7, lr;
	s5 =	simm.s32 $0xFFFFFFFF;
	p2 =	slt.u32 s8, $0xFFFFF086  }
0x1c: {  	p1 =	slt.u32 s9, $0xF7A;
	s5 =	simm.s32 @!p2 $0x0  }
0x1d: {  	s5 =	simm.s32 @p1 $0x1;
	p0 =	seq.s32 s7, s2  }
0x1e: {  	s7 =	smul.u32 @!p0 $0xF7A, s2;
	p2 =	seq.s32 @!p0 s5, $0x0  }
0x1f: {  	s9 =	smul.u32 $0xF7A, s1;
	s8 =	simm.s32 @!p0 $0x1BF5;
	p2 =	por !p2, p0  }
0x20: {  	[sflag:s8] =	ssyncset.s32 @!p0 $0xFFFFF086;
	s6 =	sadd.s32 @!p0 s3, s7;
	s7 =	simm.s32 @!p0 $0x108  }
0x21: {  	s3 =	sadd.s32 s3, s9;
	s6 =	sadd.s32 @!p0 $0x88, s6;
	s7 =	simm.s32 @p2 $0x1082  }
0x22: {  	[simem:s7], [sflag:s8] =	dma.local @!p0 [hbm:s6], $0xF7A  }
0x23: {  	s9 =	sor.u32 $0xD0000000, s2;
	s6 =	simm.s32 $0x108;
	_ =	swait.ge @!p0 [sflag:s8], $0x0  }
0x24: {  	s3 =	sadd.s32 $0x88, s3;
	s6 =	simm.s32 @!p1 $0x1082;
	[sflag:s4] =	ssyncset.s32 $0xFFFFF086  }
0x25: {  	[simem:s6], [sflag:s4] =	dma.local [hbm:s3], $0xF7A  }
0x26: {  	[smem:$0x3F97] =	sst s1;
	(tag) =	ssettag s2;
	_ =	strace s9  }
0x27: {  	s1 =	sld [smem:$0x3FA7]  }
0x28: {  	s2 =	sld [smem:$0x3FA8]  }
0x29: {  	s4 =	sld [smem:$0x3FAA]  }
0x2a: {  	p0 =	seq.s32 s5, $0x0;
	s5 =	sld [smem:$0x3FAB]  }
0x2b: {  	s6 =	sld [smem:$0x3FAC]  }
0x2c: {  	s7 =	sld [smem:$0x3FAD]  }
0x2d: {  	s3 =	simm.s32 $0x108;
	s8 =	sld [smem:$0x3FAE]  }
0x2e: {  	s3 =	simm.s32 @!p0 $0x1082;
	s9 =	sld [smem:$0x3FAF]  }
0x2f: {  	lr =	sadd.s32 s0, s3;
	s0 =	sld [smem:$0x3FA6]  }
0x30: {  	s3 =	sld [smem:$0x3FA9]  }
0x31: {  	[smem:$0x3FB2] =	sst s10  }
0x32: {  	s10 =	sld [smem:$0x3FB0];
	_ =	sdelay $0x3  }
0x33: {  	p0 =	seq.s32 s10, $0x1;
	s10 =	sld [smem:$0x3FB2];
	_ =	sdelay $0x3  }
0x34: {  	[smem:$0x3FB2] =	sst s10  }
0x35: {  	s10 =	sld [smem:$0x3FB1];
	_ =	sdelay $0x3  }
0x36: {  	p1 =	seq.s32 s10, $0x1;
	s10 =	sld [smem:$0x3FB2];
	_ =	sdelay $0x3  }
0x37: {  	[smem:$0x3FB2] =	sst s10  }
0x38: {  	s10 =	sld [smem:$0x3FB3]  }
0x39: {  	_ = 	snop;
	(pc) =	sbr.ind lr, $3  }
0x3a: {  	_ = 	snop  }
0x3b: {  	_ = 	snop  }
0x3c: {  	p2 =	seq.s32 s10, $0x1;
	s10 =	sld [smem:$0x3FB2]  }
0x3d: {  	_ =	shalt  }
0x3e: {  	_ =	shalt  }
0x3f: {  	_ =	shalt  }
0x40: {  	_ =	shalt  }
0x41: {  	_ =	shalt  }
0x42: {  	_ =	shalt  }
0x43: {  	_ =	shalt  }
0x44: {  	_ =	shalt  }
0x45: {  	_ =	shalt  }
0x46: {  	_ =	shalt  }
0x47: {  	_ =	shalt  }
0x48: {  	_ =	shalt  }
0x49: {  	_ =	shalt  }
0x4a: {  	_ =	shalt  }
0x4b: {  	_ =	shalt  }
0x4c: {  	_ =	shalt  }
0x4d: {  	_ =	shalt  }
0x4e: {  	_ =	shalt  }
0x4f: {  	_ =	shalt  }
0x50: {  	_ =	shalt  }
0x51: {  	_ =	shalt  }
0x52: {  	_ =	shalt  }
0x53: {  	_ =	shalt  }
0x54: {  	_ =	shalt  }
0x55: {  	_ =	shalt  }
0x56: {  	_ =	shalt  }
0x57: {  	_ =	shalt  }
0x58: {  	_ =	shalt  }
0x59: {  	_ =	shalt  }
0x5a: {  	_ =	shalt  }
0x5b: {  	_ =	shalt  }
0x5c: {  	_ =	shalt  }
0x5d: {  	_ =	shalt  }
0x5e: {  	_ =	shalt  }
0x5f: {  	_ =	shalt  }
0x60: {  	_ =	shalt  }
0x61: {  	_ =	shalt  }
0x62: {  	_ =	shalt  }
0x63: {  	_ =	shalt  }
0x64: {  	_ =	shalt  }
0x65: {  	_ =	shalt  }
0x66: {  	_ =	shalt  }
0x67: {  	_ =	shalt  }
0x68: {  	_ =	shalt  }
0x69: {  	_ =	shalt  }
0x6a: {  	_ =	shalt  }
0x6b: {  	_ =	shalt  }
0x6c: {  	_ =	shalt  }
0x6d: {  	_ =	shalt  }
0x6e: {  	_ =	shalt  }
0x6f: {  	_ =	shalt  }
0x70: {  	_ =	shalt  }
0x71: {  	_ =	shalt  }
0x72: {  	_ =	shalt  }
0x73: {  	_ =	shalt  }
0x74: {  	_ =	shalt  }
0x75: {  	_ =	shalt  }
0x76: {  	_ =	shalt  }
0x77: {  	_ =	shalt  }
0x78: {  	_ =	shalt  }
0x79: {  	_ =	shalt  }
0x7a: {  	_ =	shalt  }
0x7b: {  	_ =	shalt  }
0x7c: {  	_ =	shalt  }
0x7d: {  	_ =	shalt  }
0x7e: {  	_ =	shalt  }
0x7f: {  	_ =	shalt  }
0x80: {  	_ =	shalt  }
0x81: {  	_ =	shalt  }
0x82: {  	_ =	shalt  }
0x83: {  	_ =	shalt  }
0x84: {  	_ =	shalt  }
0x85: {  	_ =	shalt  }
0x86: {  	_ =	shalt  }
0x87: {  	_ =	shalt  }
.Lfunc_end0:
.L_simem_size_0:
called_computation_lowered:
.L_overlay_start_0:
0x88: {  	s2 =	sld [smem:$0x3FD9]  }
0x89: {  	s3 =	sld [smem:$0x3FFE];
	_ =	sdelay $0x1  }
0x8a: {  	s1 =	srdreg.scid  }
0x8b: {  	s0 =	sand.u32 $0x1, s1  }
0x8c: {  	s17 =	sshll.u32 s0, $0xA;
	s2 =	sadd.s32 s3, s2  }
0x8d: {  	s2 =	sadd.s32 s2, s17  }
0x8e: {  	[smem:$0x3FBE] =	sst s2  }
0x8f: {  	_ = 	snop  }
0x90: {  	s2 =	sld [smem:$0x3FD0];
	(tm) =	ssettm $0x1  }
0x91: {  	s18 =	sld [smem:$0x3FFB];
	_ =	sdelay $0x3  }
0x92: {  	_ =	strace s18  }
0x93: {  	s3 =	sld [smem:$0x3FFC];
	_ =	sdelay $0x3  }
0x94: {  	_ =	strace s3  }
0x95: {  	s3 =	sld [smem:$0x3FFD];
	_ =	sdelay $0x3  }
0x96: {  	_ =	strace s3  }
0x97: {  	_ =	strace $0x8FFFFFFF  }
0x98: {  	s19 =	sld [smem:$0x3FDB];
	_ =	sdelay $0x1  }
0x99: {  	s4 =	simm.s32 $_scs_section_size  }
0x9a: {  	s5 =	simm.s32 $_size__tile_overlayer_lowered;
	s6 =	simm.s32 $_tile_overlayer_lowered  }
0x9b: {  	s22 =	simm.s32 $0x1BFF;
	s21 =	sshll.u32 s6, $0x1;
	s3 =	sadd.s32 s4, s19  }
0x9c: {  	s7 =	simm.s32 $0x0;
	s20 =	sshll.u32 s5, $0x1;
	s5 =	sadd.s32 s21, s3  }
0x9d: {  	[timem:s7], [sflag:s22] =	dma.local [hbm:s5], s20  }
0x9e: {  	_ =	swait.ge [sflag:s22], s20  }
0x9f: {  	s4 =	ssub.s32 $0x0, s20;
	[sflag:s22] =	ssyncset.done $0x0  }
0xa0: {  	[sflag:s22] =	ssyncadd.s32 s4;
	_ =	sdelay $0x1  }
0xa1: {  	s23 =	simm.s32 $0x1B8B  }
0xa2: {  	_ =	swait.ge [sflag:s23], $0x1  }
0xa3: {  	[sflag:s23] =	ssyncset.done $0x0  }
0xa4: {  	s25 =	simm.s32 $0x1B8E;
	s24 =	sld [smem:$0x3FFE];
	[sflag:s23] =	ssyncadd.s32 $0xFFFFFFFF  }
0xa5: {  	s26 =	simm.s32 $execute0_lowered;
	[smem:$0x3FD2] =	sst s25  }
0xa6: {  	s5 =	sshll.u32 s26, $0x1;
	_ =	strace $0x80000046;
	[dreg:$0x1] =	wrdreg $0xFFFFFFFF  }
0xa7: {  	s28 =	simm.s32 $_size_execute0_lowered;
	s3 =	sadd.s32 s3, s5;
	[dreg:$0x0] =	wrdreg $0x0  }
0xa8: {  	s5 =	sshll.u32 s28, $0x1;
	[dreg:$0x2] =	wrdreg s3  }
0xa9: {  	[dreg:$0x3] =	wrdreg s5  }
0xaa: {  	[dreg:$0x4] =	wrdreg $0xC0  }
0xab: {  	_ =	task [dreg:s7], $0x5FFFF  }
0xac: {  	[dreg:$0x1] =	wrdreg $0xFFFFFFFF  }
0xad: {  	[dreg:$0x0] =	wrdreg $0x60  }
0xae: {  	[dreg:$0x2] =	wrdreg s24  }
0xaf: {  	[dreg:$0x3] =	wrdreg s2  }
0xb0: {  	[dreg:$0x4] =	wrdreg $0x68000  }
0xb1: {  	[dreg:$0x5] =	wrdreg $0x9  }
0xb2: {  	_ =	task.clear_ibuf [dreg:s7], $0x6FFFF;
	_ =	strace $0x90000046  }
0xb3: {  	s29 =	simm.s32 $0x9;
	_ =	strace $0x80000048  }
0xb4: {  	_ =	swait.ge [sflag:s29], $0x1  }
0xb5: {  	[sflag:s29] =	ssyncadd.s32 $0xFFFFFFFF  }
0xb6: {  	_ =	strace $0x90000048  }
0xb7: {  	_ =	sfence  }
0xb8: {  	s30 =	sld [smem:$0x0];
	_ =	sdelay $0x2  }
0xb9: {  	s31 =	sshll.u32 s1, $0xD;
	s1 =	sshrl.u32 s1, $0x2  }
0xba: {  	s3 =	sand.u32 $0x4000, s31;
	s1 =	sadd.s32 s1, s30  }
0xbb: {  	s0 =	sor.u32 s3, s0;
	s1 =	sshll.u32 s1, $0x11  }
0xbc: {  	s0 =	sor.u32 s1, s0  }
0xbd: {  	s0 =	sadd.s32 $0x8F2B, s0  }
0xbe: {  	[sflag:s0] =	ssyncadd.remote.s32 $0x1  }
0xbf: {  	_ =	sfence.sel $0xFFFF  }
0xc0: {  	[dreg:$0x0] =	wrdreg $0xFFFFFFFF;
	(pc) =	sbr.abs _section_cstart, $3  }
0xc1: {  	[dreg:$0x1] =	wrdreg $0xFFFFFFFF  }
0xc2: {  	_ =	task.clear_ibuf [dreg:s7], $0x2FFFF;
	_ =	strace $0x9FFFFFFF  }
0xc3: {  	(tm) =	ssettm $0x7FFFFFFF  }
tec
execute0_lowered:
.L_overlay_start_1:
0x0: {  	(tag) =	ssettag $0x1  }
0x1: {  	s6 =	rddreg [dreg:$0x0]  }
0x2: {  	s1 =	srdreg.scid;
	s2 =	rddreg [dreg:$0x1]  }
0x3: {  	s0 =	stileid.u32;
	s3 =	rddreg [dreg:$0x2];
	s4 =	simm.s32 $0x0  }
0x4: {  	s13 =	simm.s32 $0x7D;
	s14 =	simm.s32 $0x0;
	s9 =	smul.u32 $0x14000, s0  }
0x5: {  	s7 =	sand.u32 $0x1, s1;
	s28 =	sshll.u32 s0, $0x1;
	s29 =	smul.u32 $0x50000, s0  }
0x6: {  	[smem:$0x7FF] =	sst s4;
	s1 =	sor.u32 s7, s28;
	s8 =	smul.u32 $0x140000, s7  }
0x7: {  	s31 =	sshll.u32 s0, $0x6;
	s7 =	ssub.s32 $0x2, s7;
	s5 =	smul.u32 $0x500, s1  }
0x8: {  	s1 =	rddreg [dreg:$0x3];
	_ =	strace $0x80000047;
	s30 =	sshrl.u32 s7, $0x1  }
0x9: {  	s8 =	sadd.s32 s9, s8;
	s9 =	sshrl.u32 s29, $0x2;
	s11 =	ssub.s32 s7, s30  }
0xa: {  	s10 =	sadd.s32 s5, s6;
	s5 =	sadd.s32 $0xD200, s6;
	s8 =	sshrl.u32 s8, $0x3  }
0xb: {  	s12 =	sadd.s32 s9, s3;
	s9 =	simm.s32 $0x1;
	s8 =	sadd.s32 s8, s6  }
0xc: {  	s6 =	sadd.s32 $0x3200, s10;
	s10 =	simm.s32 $0x2800;
	s12 =	sshrl.u32 s12, $0x3  }
0xd: {  	s7 =	sadd.s32 $0xFA00, s8;
	s8 =	smax.u32 s11, $0x1;
	s11 =	sor.u32 $0x1C01, s31  }
.LBB2_1:
0xe: {  	[tilespmem:s4], [sflag:$0x1] =	stream.linear.gather [hbm4b:s6+s4], $0x2800, $0x38;
	[tilespmem:$0x1A800] =	vst v63  }
0xf: {  	_ =	swait.ge [sflag:s9], $0x2800  }
0x10: {  	[sflag:s9] =	ssyncset.done $0x0  }
0x11: {  	[sflag:s9] =	ssyncadd.s32 $0xFFFFD800  }
0x12: {  	[tilespmem:s10], [sflag:$0x1] =	stream.linear.gather [hbm4b:s2+s4], $0x3E80, $0x38;
	[tilespmem:$0x1A800] =	vst v63  }
0x13: {  	_ =	swait.ge [sflag:s9], $0x3E80  }
0x14: {  	[sflag:s9] =	ssyncset.done $0x0  }
0x15: {  	[sflag:s9] =	ssyncadd.s32 $0xFFFFC180  }
0x16: {  	[spmem:s12], [sflag:s11] =	dma.local [hbm:s5], $0x2800  }
0x17: {  	_ =	swait.ge [sflag:s9], $0x2800  }
0x18: {  	[sflag:s9] =	ssyncset.done $0x0  }
0x19: {  	[sflag:s9] =	ssyncadd.s32 $0xFFFFD800  }
0x1a: {  	s15 =	simm.s32 $0x0;
	[bflag:$0x0] =	sbarrier.arrive $0xFFFF  }
0x1b: {  	[spmem:s3] =	stream.indirect.scatter.add.f32 [tilespmem:s10], [sflag:$0x1], $0x80, s15, s13, $0xb8;
	[tilespmem:$0x1A800] =	vst v63  }
0x1c: {  	_ =	swait.ge [sflag:s9], $0x3E80  }
0x1d: {  	s15 =	simm.s32 $0x200;
	[sflag:s9] =	ssyncset.done $0x0  }
.LBB2_2:
0x1e: {  	s16 =	sshra.s32 s15, $0x2;
	[sflag:s9] =	ssyncadd.s32 $0xFFFFC180;
	p0 =	sne.s32 s15, $0x9E00  }
0x1f: {  	[spmem:s3] =	stream.indirect.scatter.add.f32 [tilespmem:s10], [sflag:$0x1], $0x80, s16, s13, $0xb8;
	[tilespmem:$0x1A800] =	vst v63  }
.Ltmp0:
0x20: {  	_ = 	snop;
	(pc) =	sbr.rel @p0 .LBB2_2-.Ltmp0, $4  }
0x21: {  	_ = 	snop  }
0x22: {  	s15 =	sadd.s32 $0x200, s15  }
0x23: {  	_ =	swait.ge [sflag:s9], $0x3E80  }
0x24: {  	[sflag:s9] =	ssyncset.done $0x0  }
0x25: {  	s14 =	sadd.s32 $0x1, s14  }
0x26: {  	[sflag:s9] =	ssyncadd.s32 $0xFFFFC180;
	p0 =	sne.s32 s14, s8  }
.Ltmp1:
0x27: {  	[bflag:$0x0] =	sbarrier.arrive $0xFFFF;
	(pc) =	sbr.rel @p0 .LBB2_1-.Ltmp1, $4  }
0x28: {  	[hbm:s7], [sflag:s11] =	dma.local [spmem:s12], $0x2800  }
0x29: {  	_ =	swait.ge [sflag:s9], $0x2800  }
0x2a: {  	[sflag:s9] =	ssyncset.done $0x0  }
0x2b: {  	[sflag:s9] =	ssyncadd.s32 $0xFFFFD800  }
0x2c: {  	_ =	sfence.sel $0x180000  }
0x2d: {  	[bflag:$0x0] =	sbarrier.arrive $0xFFFF  }
0x2e: {  	p0 =	sne.s32 s0, $0x0;
	_ =	strace $0x90000047  }
0x2f: {  	s0 =	sadd.s32 @!p0 $0x100000, s1;
	[bflag:$0x2] =	sbarrier.arrive $0xFFFF  }
0x30: {  	[sflag:s0] =	ssyncadd.tile.s32 @!p0 $0x1;
	_ =	shalt  }
.Lfunc_end2:
_tile_overlayer_lowered:
.L_overlay_start_2:
0x31: {  	(tag) =	ssettag $0x2  }
0x32: {  	s0 =	rddreg [dreg:$0x0];
	s2 =	stileid.u32  }
0x33: {  	s1 =	rddreg [dreg:$0x1];
	p0 =	sne.s32 s2, $0x0  }
0x34: {  	s3 =	rddreg [dreg:$0x2];
	[bflag:$0x3] =	sbarrier.arrive $0xFFFF;
	s2 =	simm.s32 @!p0 $0x1C01  }
0x35: {  	[timem:s3], [sflag:s2] =	dma.local @!p0 [hbm:s0], s1  }
0x36: {  	s0 =	simm.s32 @!p0 $0x1  }
0x37: {  	_ =	swait.ge @!p0 [sflag:s0], s1  }
0x38: {  	s1 =	ssub.s32 @!p0 $0x0, s1;
	[sflag:s0] =	ssyncset.done @!p0 $0x0  }
0x39: {  	[sflag:s0] =	ssyncadd.s32 @!p0 s1  }
0x3a: {  	[bflag:$0x3] =	sbarrier.arrive $0xFFFF  }
0x3b: {  	_ =	shalt  }

</sc_bundles>
